<compile_context>
chip_gen: v7x
topology: tpu7x:2x2x1
jax: 0.10.2.dev20260603
libtpu: 0.0.44.dev20260713+nightly
codegen_flags: <defaults>
</compile_context>

<pallas_src>
import functools

import jax
import jax.numpy as jnp
from jax import lax
from jax.experimental import pallas as pl
from jax.experimental.pallas import tpu as pltpu
from jax.experimental.pallas import tpu_sc as plsc

N_CLASSES = 1000
FEAT = 128
BATCH = 16384
DECAY = 0.3

NC, NS, L = 2, 16, 16
NW = NC * NS
CP = 1024
RPT = BATCH // NW
CHUNK = 128
NCHUNK = RPT // CHUNK
STRIPE = CP // NS
ZROWS = 8

_mesh = plsc.VectorSubcoreMesh(
    core_axis_name="c", subcore_axis_name="s", num_cores=NC, num_subcores=NS)


@functools.partial(
    pl.kernel,
    out_type=(
        jax.ShapeDtypeStruct((NC, CP, FEAT), jnp.float32),
        jax.ShapeDtypeStruct((NC, NS, CP), jnp.float32),
    ),
    mesh=_mesh,
    compiler_params=pltpu.CompilerParams(needs_layout_passes=False),
    scratch_types=[
        pltpu.VMEM((NCHUNK, CHUNK), jnp.int32),
        pltpu.VMEM((RPT, FEAT), jnp.float32),
        pltpu.VMEM((CP,), jnp.float32),
        pltpu.VMEM((ZROWS, FEAT), jnp.float32),
        pltpu.VMEM_SHARED((CP, FEAT), jnp.float32),
        pltpu.SemaphoreType.DMA,
        pltpu.SemaphoreType.DMA,
    ],
)
def _accumulate(x_hbm, y_hbm, sums_hbm, hist_hbm,
                idx_v, xb_v, h_v, zs_v, ssum, sem, sem2):
    cid = lax.axis_index("c")
    sid = lax.axis_index("s")
    wid = cid * NS + sid

    zero = jnp.zeros((L,), jnp.float32)
    one = jnp.ones((L,), jnp.float32)

    for i in range(ZROWS):
        for j in range(FEAT // L):
            zs_v[i, pl.ds(j * L, L)] = zero
    for j in range(CP // L):
        h_v[pl.ds(j * L, L)] = zero

    zds = [pltpu.async_copy(
        zs_v, ssum.at[pl.ds(sid * STRIPE + k * ZROWS, ZROWS)], sem)
        for k in range(STRIPE // ZROWS)]
    pltpu.sync_copy(y_hbm.at[pl.ds(wid * NCHUNK, NCHUNK)], idx_v)
    for d in zds:
        d.wait()
    plsc.subcore_barrier()

    loads = [pltpu.async_copy(
        x_hbm.at[pl.ds(wid * RPT + j * CHUNK, CHUNK)],
        xb_v.at[pl.ds(j * CHUNK, CHUNK)], sem) for j in range(NCHUNK)]
    for j in range(NCHUNK):
        for k in range(CHUNK // L):
            iv = idx_v[j, pl.ds(k * L, L)]
            plsc.addupdate_scatter(h_v, [iv], one)

    scs = []
    for j in range(NCHUNK):
        loads[j].wait()
        scs.append(pltpu.async_copy(
            xb_v.at[pl.ds(j * CHUNK, CHUNK)],
            ssum.at[idx_v.at[j]], sem2, add=True))
    hist_done = pltpu.async_copy(h_v, hist_hbm.at[cid, sid], sem)
    for d in scs:
        d.wait()
    plsc.subcore_barrier()

    rows = pl.ds(sid * STRIPE, STRIPE)
    pltpu.sync_copy(ssum.at[rows], sums_hbm.at[cid, rows])
    hist_done.wait()


def _tc_combine_body(s_ref, h_ref, cen_ref, o_ref):
    s = s_ref[0, :N_CLASSES, :] + s_ref[1, :N_CLASSES, :]
    cnt = (jnp.sum(h_ref[0], axis=0)
           + jnp.sum(h_ref[1], axis=0))[:N_CLASSES, None]
    present = cnt > 0.0
    inv = 1.0 / jnp.where(present, cnt, 1.0)
    old = cen_ref[...]
    upd = s * inv * DECAY + (1.0 - DECAY) * old
    o_ref[...] = jnp.where(present, upd, old)


_combine = pl.pallas_call(
    _tc_combine_body,
    out_shape=jax.ShapeDtypeStruct((N_CLASSES, FEAT), jnp.float32),
)


def kernel(x, centroids, y):
    y2 = y.astype(jnp.int32).reshape(NW * NCHUNK, CHUNK)
    sums, hist = _accumulate(x, y2)
    return _combine(sums, hist, centroids)

# --- scband reference (transcript-rebuilt; emitter-appended) ---
"""Pipeline reference for scband-centroids-21380347199545 (READ-ONLY COPY).

The authoritative reference and input builder live on the scoring server;
editing this copy changes nothing except your own understanding.
"""

import jax, jax.numpy as jnp
import numpy as np

NUM_CLASSES = 1000
FEATURE_DIM = 128
BATCH = 16384
DECAY = 0.3


def setup_inputs(seed: int = 0) -> dict:
    key = jax.random.key(seed)
    kx, ky = jax.random.split(key)
    x = jax.random.normal(kx, (BATCH, FEATURE_DIM), dtype=jnp.float32)
    y = jax.random.randint(ky, (BATCH,), 0, NUM_CLASSES, dtype=jnp.int64 if jax.config.read('jax_enable_x64') else jnp.int32)
    # centroids parameter: module zeroes it in reset_parameters(), requires_grad=False
    centroids = jnp.zeros((NUM_CLASSES, FEATURE_DIM), dtype=jnp.float32)
    return {"x": x, "centroids": centroids, "y": y}


def reference(x, centroids, y):
    num_classes = centroids.shape[0]
    # per-class sum and count (scatter-add / segment_sum)
    sums = jax.ops.segment_sum(x, y, num_segments=num_classes)
    counts = jax.ops.segment_sum(jnp.ones((x.shape[0],), dtype=x.dtype), y, num_segments=num_classes)
    present = counts > 0
    safe_counts = jnp.where(present, counts, jnp.ones_like(counts))
    means = sums / safe_counts[:, None]
    updated = means * DECAY + (1.0 - DECAY) * centroids
    # classes absent from y keep the old centroid value
    current_centroids = jnp.where(present[:, None], updated, centroids)
    return current_centroids

if __name__ == "__main__":
    import jax
    _d = setup_inputs()
    print(jax.jit(kernel)(*tuple(_d.values())))

</pallas_src>

<mosaic_0001>
#map = affine_map<(d0, d1) -> (0, 0)>
#map1 = affine_map<(d0, d1) -> (0, 0, 0)>
module attributes {stable_mosaic.version = 14 : i64} {
  func.func @_accumulate(%arg0: i32, %arg1: i32, %arg2: memref<16384x128xf32, #tpu.memory_space<hbm>>, %arg3: memref<128x128xi32, #tpu.memory_space<hbm>>, %arg4: memref<2x1024x128xf32, #tpu.memory_space<hbm>>, %arg5: memref<2x16x1024xf32, #tpu.memory_space<hbm>>, %arg6: memref<4x128xi32, #tpu.memory_space<vmem>>, %arg7: memref<512x128xf32, #tpu.memory_space<vmem>>, %arg8: memref<1024xf32, #tpu.memory_space<vmem>>, %arg9: memref<8x128xf32, #tpu.memory_space<vmem>>, %arg10: memref<1024x128xf32, #tpu.memory_space<vmem_shared>>, %arg11: memref<!tpu.dma_semaphore, #tpu.memory_space<semaphore_mem>>, %arg12: memref<!tpu.dma_semaphore, #tpu.memory_space<semaphore_mem>>) attributes {dimension_semantics = [#tpu.dimension_semantics<core_parallel>, #tpu.dimension_semantics<subcore_parallel>], iteration_bounds = array<i64: 2, 16>, scalar_prefetch = 0 : i64, scratch_operands = 7 : i64, tpu.core_type = #tpu.core_type<sc_vector_subcore>, window_params = [{transform_indices = #map}, {transform_indices = #map}, {transform_indices = #map1}, {transform_indices = #map1}]} {
    %mul3A = arith.constant 16 : i32
    %mul3A_0 = arith.muli %arg0, %mul3A : i32
    %add3A = arith.addi %mul3A_0, %arg1 : i32
    %broadcast_in_dim3A = arith.constant 0.000000e+00 : f32
    %broadcast_in_dim3A_1 = vector.broadcast %broadcast_in_dim3A : f32 to vector<16xf32>
    %broadcast_in_dim3A_2 = arith.constant 1.000000e+00 : f32
    %broadcast_in_dim3A_3 = vector.broadcast %broadcast_in_dim3A_2 : f32 to vector<16xf32>
    %swap3A = arith.constant 0 : i32
    %swap3A_4 = arith.index_cast %swap3A : i32 to index
    %swap3A_5 = arith.constant 0 : index
    %swap3A_6 = tpu.vector_load %arg9[%swap3A_4, %swap3A_5] {strides = array<i32>} : memref<8x128xf32, #tpu.memory_space<vmem>>, vector<16xf32>,
    tpu.vector_store %arg9[%swap3A_4, %swap3A_5], %broadcast_in_dim3A_1 {strides = array<i32>} : memref<8x128xf32, #tpu.memory_space<vmem>>, vector<16xf32>,
    %swap3A_7 = arith.constant 0 : i32
    %swap3A_8 = arith.index_cast %swap3A_7 : i32 to index
    %swap3A_9 = arith.constant 16 : index
    %swap3A_10 = tpu.vector_load %arg9[%swap3A_8, %swap3A_9] {strides = array<i32>} : memref<8x128xf32, #tpu.memory_space<vmem>>, vector<16xf32>,
    tpu.vector_store %arg9[%swap3A_8, %swap3A_9], %broadcast_in_dim3A_1 {strides = array<i32>} : memref<8x128xf32, #tpu.memory_space<vmem>>, vector<16xf32>,
    %swap3A_11 = arith.constant 0 : i32
    %swap3A_12 = arith.index_cast %swap3A_11 : i32 to index
    %swap3A_13 = arith.constant 32 : index
    %swap3A_14 = tpu.vector_load %arg9[%swap3A_12, %swap3A_13] {strides = array<i32>} : memref<8x128xf32, #tpu.memory_space<vmem>>, vector<16xf32>,
    tpu.vector_store %arg9[%swap3A_12, %swap3A_13], %broadcast_in_dim3A_1 {strides = array<i32>} : memref<8x128xf32, #tpu.memory_space<vmem>>, vector<16xf32>,
    %swap3A_15 = arith.constant 0 : i32
    %swap3A_16 = arith.index_cast %swap3A_15 : i32 to index
    %swap3A_17 = arith.constant 48 : index
    %swap3A_18 = tpu.vector_load %arg9[%swap3A_16, %swap3A_17] {strides = array<i32>} : memref<8x128xf32, #tpu.memory_space<vmem>>, vector<16xf32>,
    tpu.vector_store %arg9[%swap3A_16, %swap3A_17], %broadcast_in_dim3A_1 {strides = array<i32>} : memref<8x128xf32, #tpu.memory_space<vmem>>, vector<16xf32>,
    %swap3A_19 = arith.constant 0 : i32
    %swap3A_20 = arith.index_cast %swap3A_19 : i32 to index
    %swap3A_21 = arith.constant 64 : index
    %swap3A_22 = tpu.vector_load %arg9[%swap3A_20, %swap3A_21] {strides = array<i32>} : memref<8x128xf32, #tpu.memory_space<vmem>>, vector<16xf32>,
    tpu.vector_store %arg9[%swap3A_20, %swap3A_21], %broadcast_in_dim3A_1 {strides = array<i32>} : memref<8x128xf32, #tpu.memory_space<vmem>>, vector<16xf32>,
    %swap3A_23 = arith.constant 0 : i32
    %swap3A_24 = arith.index_cast %swap3A_23 : i32 to index
    %swap3A_25 = arith.constant 80 : index
    %swap3A_26 = tpu.vector_load %arg9[%swap3A_24, %swap3A_25] {strides = array<i32>} : memref<8x128xf32, #tpu.memory_space<vmem>>, vector<16xf32>,
    tpu.vector_store %arg9[%swap3A_24, %swap3A_25], %broadcast_in_dim3A_1 {strides = array<i32>} : memref<8x128xf32, #tpu.memory_space<vmem>>, vector<16xf32>,
    %swap3A_27 = arith.constant 0 : i32
    %swap3A_28 = arith.index_cast %swap3A_27 : i32 to index
    %swap3A_29 = arith.constant 96 : index
    %swap3A_30 = tpu.vector_load %arg9[%swap3A_28, %swap3A_29] {strides = array<i32>} : memref<8x128xf32, #tpu.memory_space<vmem>>, vector<16xf32>,
    tpu.vector_store %arg9[%swap3A_28, %swap3A_29], %broadcast_in_dim3A_1 {strides = array<i32>} : memref<8x128xf32, #tpu.memory_space<vmem>>, vector<16xf32>,
    %swap3A_31 = arith.constant 0 : i32
    %swap3A_32 = arith.index_cast %swap3A_31 : i32 to index
    %swap3A_33 = arith.constant 112 : index
    %swap3A_34 = tpu.vector_load %arg9[%swap3A_32, %swap3A_33] {strides = array<i32>} : memref<8x128xf32, #tpu.memory_space<vmem>>, vector<16xf32>,
    tpu.vector_store %arg9[%swap3A_32, %swap3A_33], %broadcast_in_dim3A_1 {strides = array<i32>} : memref<8x128xf32, #tpu.memory_space<vmem>>, vector<16xf32>,
    %swap3A_35 = arith.constant 1 : i32
    %swap3A_36 = arith.index_cast %swap3A_35 : i32 to index
    %swap3A_37 = arith.constant 0 : index
    %swap3A_38 = tpu.vector_load %arg9[%swap3A_36, %swap3A_37] {strides = array<i32>} : memref<8x128xf32, #tpu.memory_space<vmem>>, vector<16xf32>,
    tpu.vector_store %arg9[%swap3A_36, %swap3A_37], %broadcast_in_dim3A_1 {strides = array<i32>} : memref<8x128xf32, #tpu.memory_space<vmem>>, vector<16xf32>,
    %swap3A_39 = arith.constant 1 : i32
    %swap3A_40 = arith.index_cast %swap3A_39 : i32 to index
    %swap3A_41 = arith.constant 16 : index
    %swap3A_42 = tpu.vector_load %arg9[%swap3A_40, %swap3A_41] {strides = array<i32>} : memref<8x128xf32, #tpu.memory_space<vmem>>, vector<16xf32>,
    tpu.vector_store %arg9[%swap3A_40, %swap3A_41], %broadcast_in_dim3A_1 {strides = array<i32>} : memref<8x128xf32, #tpu.memory_space<vmem>>, vector<16xf32>,
    %swap3A_43 = arith.constant 1 : i32
    %swap3A_44 = arith.index_cast %swap3A_43 : i32 to index
    %swap3A_45 = arith.constant 32 : index
    %swap3A_46 = tpu.vector_load %arg9[%swap3A_44, %swap3A_45] {strides = array<i32>} : memref<8x128xf32, #tpu.memory_space<vmem>>, vector<16xf32>,
    tpu.vector_store %arg9[%swap3A_44, %swap3A_45], %broadcast_in_dim3A_1 {strides = array<i32>} : memref<8x128xf32, #tpu.memory_space<vmem>>, vector<16xf32>,
    %swap3A_47 = arith.constant 1 : i32
    %swap3A_48 = arith.index_cast %swap3A_47 : i32 to index
    %swap3A_49 = arith.constant 48 : index
    %swap3A_50 = tpu.vector_load %arg9[%swap3A_48, %swap3A_49] {strides = array<i32>} : memref<8x128xf32, #tpu.memory_space<vmem>>, vector<16xf32>,
    tpu.vector_store %arg9[%swap3A_48, %swap3A_49], %broadcast_in_dim3A_1 {strides = array<i32>} : memref<8x128xf32, #tpu.memory_space<vmem>>, vector<16xf32>,
    %swap3A_51 = arith.constant 1 : i32
    %swap3A_52 = arith.index_cast %swap3A_51 : i32 to index
    %swap3A_53 = arith.constant 64 : index
    %swap3A_54 = tpu.vector_load %arg9[%swap3A_52, %swap3A_53] {strides = array<i32>} : memref<8x128xf32, #tpu.memory_space<vmem>>, vector<16xf32>,
    tpu.vector_store %arg9[%swap3A_52, %swap3A_53], %broadcast_in_dim3A_1 {strides = array<i32>} : memref<8x128xf32, #tpu.memory_space<vmem>>, vector<16xf32>,
    %swap3A_55 = arith.constant 1 : i32
    %swap3A_56 = arith.index_cast %swap3A_55 : i32 to index
    %swap3A_57 = arith.constant 80 : index
    %swap3A_58 = tpu.vector_load %arg9[%swap3A_56, %swap3A_57] {strides = array<i32>} : memref<8x128xf32, #tpu.memory_space<vmem>>, vector<16xf32>,
    tpu.vector_store %arg9[%swap3A_56, %swap3A_57], %broadcast_in_dim3A_1 {strides = array<i32>} : memref<8x128xf32, #tpu.memory_space<vmem>>, vector<16xf32>,
    %swap3A_59 = arith.constant 1 : i32
    %swap3A_60 = arith.index_cast %swap3A_59 : i32 to index
    %swap3A_61 = arith.constant 96 : index
    %swap3A_62 = tpu.vector_load %arg9[%swap3A_60, %swap3A_61] {strides = array<i32>} : memref<8x128xf32, #tpu.memory_space<vmem>>, vector<16xf32>,
    tpu.vector_store %arg9[%swap3A_60, %swap3A_61], %broadcast_in_dim3A_1 {strides = array<i32>} : memref<8x128xf32, #tpu.memory_space<vmem>>, vector<16xf32>,
    %swap3A_63 = arith.constant 1 : i32
    %swap3A_64 = arith.index_cast %swap3A_63 : i32 to index
    %swap3A_65 = arith.constant 112 : index
    %swap3A_66 = tpu.vector_load %arg9[%swap3A_64, %swap3A_65] {strides = array<i32>} : memref<8x128xf32, #tpu.memory_space<vmem>>, vector<16xf32>,
    tpu.vector_store %arg9[%swap3A_64, %swap3A_65], %broadcast_in_dim3A_1 {strides = array<i32>} : memref<8x128xf32, #tpu.memory_space<vmem>>, vector<16xf32>,
    %swap3A_67 = arith.constant 2 : i32
    %swap3A_68 = arith.index_cast %swap3A_67 : i32 to index
    %swap3A_69 = arith.constant 0 : index
    %swap3A_70 = tpu.vector_load %arg9[%swap3A_68, %swap3A_69] {strides = array<i32>} : memref<8x128xf32, #tpu.memory_space<vmem>>, vector<16xf32>,
    tpu.vector_store %arg9[%swap3A_68, %swap3A_69], %broadcast_in_dim3A_1 {strides = array<i32>} : memref<8x128xf32, #tpu.memory_space<vmem>>, vector<16xf32>,
    %swap3A_71 = arith.constant 2 : i32
    %swap3A_72 = arith.index_cast %swap3A_71 : i32 to index
    %swap3A_73 = arith.constant 16 : index
    %swap3A_74 = tpu.vector_load %arg9[%swap3A_72, %swap3A_73] {strides = array<i32>} : memref<8x128xf32, #tpu.memory_space<vmem>>, vector<16xf32>,
    tpu.vector_store %arg9[%swap3A_72, %swap3A_73], %broadcast_in_dim3A_1 {strides = array<i32>} : memref<8x128xf32, #tpu.memory_space<vmem>>, vector<16xf32>,
    %swap3A_75 = arith.constant 2 : i32
    %swap3A_76 = arith.index_cast %swap3A_75 : i32 to index
    %swap3A_77 = arith.constant 32 : index
    %swap3A_78 = tpu.vector_load %arg9[%swap3A_76, %swap3A_77] {strides = array<i32>} : memref<8x128xf32, #tpu.memory_space<vmem>>, vector<16xf32>,
    tpu.vector_store %arg9[%swap3A_76, %swap3A_77], %broadcast_in_dim3A_1 {strides = array<i32>} : memref<8x128xf32, #tpu.memory_space<vmem>>, vector<16xf32>,
    %swap3A_79 = arith.constant 2 : i32
    %swap3A_80 = arith.index_cast %swap3A_79 : i32 to index
    %swap3A_81 = arith.constant 48 : index
    %swap3A_82 = tpu.vector_load %arg9[%swap3A_80, %swap3A_81] {strides = array<i32>} : memref<8x128xf32, #tpu.memory_space<vmem>>, vector<16xf32>,
    tpu.vector_store %arg9[%swap3A_80, %swap3A_81], %broadcast_in_dim3A_1 {strides = array<i32>} : memref<8x128xf32, #tpu.memory_space<vmem>>, vector<16xf32>,
    %swap3A_83 = arith.constant 2 : i32
    %swap3A_84 = arith.index_cast %swap3A_83 : i32 to index
    %swap3A_85 = arith.constant 64 : index
    %swap3A_86 = tpu.vector_load %arg9[%swap3A_84, %swap3A_85] {strides = array<i32>} : memref<8x128xf32, #tpu.memory_space<vmem>>, vector<16xf32>,
    tpu.vector_store %arg9[%swap3A_84, %swap3A_85], %broadcast_in_dim3A_1 {strides = array<i32>} : memref<8x128xf32, #tpu.memory_space<vmem>>, vector<16xf32>,
    %swap3A_87 = arith.constant 2 : i32
    %swap3A_88 = arith.index_cast %swap3A_87 : i32 to index
    %swap3A_89 = arith.constant 80 : index
    %swap3A_90 = tpu.vector_load %arg9[%swap3A_88, %swap3A_89] {strides = array<i32>} : memref<8x128xf32, #tpu.memory_space<vmem>>, vector<16xf32>,
    tpu.vector_store %arg9[%swap3A_88, %swap3A_89], %broadcast_in_dim3A_1 {strides = array<i32>} : memref<8x128xf32, #tpu.memory_space<vmem>>, vector<16xf32>,
    %swap3A_91 = arith.constant 2 : i32
    %swap3A_92 = arith.index_cast %swap3A_91 : i32 to index
    %swap3A_93 = arith.constant 96 : index
    %swap3A_94 = tpu.vector_load %arg9[%swap3A_92, %swap3A_93] {strides = array<i32>} : memref<8x128xf32, #tpu.memory_space<vmem>>, vector<16xf32>,
    tpu.vector_store %arg9[%swap3A_92, %swap3A_93], %broadcast_in_dim3A_1 {strides = array<i32>} : memref<8x128xf32, #tpu.memory_space<vmem>>, vector<16xf32>,
    %swap3A_95 = arith.constant 2 : i32
    %swap3A_96 = arith.index_cast %swap3A_95 : i32 to index
    %swap3A_97 = arith.constant 112 : index
    %swap3A_98 = tpu.vector_load %arg9[%swap3A_96, %swap3A_97] {strides = array<i32>} : memref<8x128xf32, #tpu.memory_space<vmem>>, vector<16xf32>,
    tpu.vector_store %arg9[%swap3A_96, %swap3A_97], %broadcast_in_dim3A_1 {strides = array<i32>} : memref<8x128xf32, #tpu.memory_space<vmem>>, vector<16xf32>,
    %swap3A_99 = arith.constant 3 : i32
    %swap3A_100 = arith.index_cast %swap3A_99 : i32 to index
    %swap3A_101 = arith.constant 0 : index
    %swap3A_102 = tpu.vector_load %arg9[%swap3A_100, %swap3A_101] {strides = array<i32>} : memref<8x128xf32, #tpu.memory_space<vmem>>, vector<16xf32>,
    tpu.vector_store %arg9[%swap3A_100, %swap3A_101], %broadcast_in_dim3A_1 {strides = array<i32>} : memref<8x128xf32, #tpu.memory_space<vmem>>, vector<16xf32>,
    %swap3A_103 = arith.constant 3 : i32
    %swap3A_104 = arith.index_cast %swap3A_103 : i32 to index
    %swap3A_105 = arith.constant 16 : index
    %swap3A_106 = tpu.vector_load %arg9[%swap3A_104, %swap3A_105] {strides = array<i32>} : memref<8x128xf32, #tpu.memory_space<vmem>>, vector<16xf32>,
    tpu.vector_store %arg9[%swap3A_104, %swap3A_105], %broadcast_in_dim3A_1 {strides = array<i32>} : memref<8x128xf32, #tpu.memory_space<vmem>>, vector<16xf32>,
    %swap3A_107 = arith.constant 3 : i32
    %swap3A_108 = arith.index_cast %swap3A_107 : i32 to index
    %swap3A_109 = arith.constant 32 : index
    %swap3A_110 = tpu.vector_load %arg9[%swap3A_108, %swap3A_109] {strides = array<i32>} : memref<8x128xf32, #tpu.memory_space<vmem>>, vector<16xf32>,
    tpu.vector_store %arg9[%swap3A_108, %swap3A_109], %broadcast_in_dim3A_1 {strides = array<i32>} : memref<8x128xf32, #tpu.memory_space<vmem>>, vector<16xf32>,
    %swap3A_111 = arith.constant 3 : i32
    %swap3A_112 = arith.index_cast %swap3A_111 : i32 to index
    %swap3A_113 = arith.constant 48 : index
    %swap3A_114 = tpu.vector_load %arg9[%swap3A_112, %swap3A_113] {strides = array<i32>} : memref<8x128xf32, #tpu.memory_space<vmem>>, vector<16xf32>,
    tpu.vector_store %arg9[%swap3A_112, %swap3A_113], %broadcast_in_dim3A_1 {strides = array<i32>} : memref<8x128xf32, #tpu.memory_space<vmem>>, vector<16xf32>,
    %swap3A_115 = arith.constant 3 : i32
    %swap3A_116 = arith.index_cast %swap3A_115 : i32 to index
    %swap3A_117 = arith.constant 64 : index
    %swap3A_118 = tpu.vector_load %arg9[%swap3A_116, %swap3A_117] {strides = array<i32>} : memref<8x128xf32, #tpu.memory_space<vmem>>, vector<16xf32>,
    tpu.vector_store %arg9[%swap3A_116, %swap3A_117], %broadcast_in_dim3A_1 {strides = array<i32>} : memref<8x128xf32, #tpu.memory_space<vmem>>, vector<16xf32>,
    %swap3A_119 = arith.constant 3 : i32
    %swap3A_120 = arith.index_cast %swap3A_119 : i32 to index
    %swap3A_121 = arith.constant 80 : index
    %swap3A_122 = tpu.vector_load %arg9[%swap3A_120, %swap3A_121] {strides = array<i32>} : memref<8x128xf32, #tpu.memory_space<vmem>>, vector<16xf32>,
    tpu.vector_store %arg9[%swap3A_120, %swap3A_121], %broadcast_in_dim3A_1 {strides = array<i32>} : memref<8x128xf32, #tpu.memory_space<vmem>>, vector<16xf32>,
    %swap3A_123 = arith.constant 3 : i32
    %swap3A_124 = arith.index_cast %swap3A_123 : i32 to index
    %swap3A_125 = arith.constant 96 : index
    %swap3A_126 = tpu.vector_load %arg9[%swap3A_124, %swap3A_125] {strides = array<i32>} : memref<8x128xf32, #tpu.memory_space<vmem>>, vector<16xf32>,
    tpu.vector_store %arg9[%swap3A_124, %swap3A_125], %broadcast_in_dim3A_1 {strides = array<i32>} : memref<8x128xf32, #tpu.memory_space<vmem>>, vector<16xf32>,
    %swap3A_127 = arith.constant 3 : i32
    %swap3A_128 = arith.index_cast %swap3A_127 : i32 to index
    %swap3A_129 = arith.constant 112 : index
    %swap3A_130 = tpu.vector_load %arg9[%swap3A_128, %swap3A_129] {strides = array<i32>} : memref<8x128xf32, #tpu.memory_space<vmem>>, vector<16xf32>,
    tpu.vector_store %arg9[%swap3A_128, %swap3A_129], %broadcast_in_dim3A_1 {strides = array<i32>} : memref<8x128xf32, #tpu.memory_space<vmem>>, vector<16xf32>,
    %swap3A_131 = arith.constant 4 : i32
    %swap3A_132 = arith.index_cast %swap3A_131 : i32 to index
    %swap3A_133 = arith.constant 0 : index
    %swap3A_134 = tpu.vector_load %arg9[%swap3A_132, %swap3A_133] {strides = array<i32>} : memref<8x128xf32, #tpu.memory_space<vmem>>, vector<16xf32>,
    tpu.vector_store %arg9[%swap3A_132, %swap3A_133], %broadcast_in_dim3A_1 {strides = array<i32>} : memref<8x128xf32, #tpu.memory_space<vmem>>, vector<16xf32>,
    %swap3A_135 = arith.constant 4 : i32
    %swap3A_136 = arith.index_cast %swap3A_135 : i32 to index
    %swap3A_137 = arith.constant 16 : index
    %swap3A_138 = tpu.vector_load %arg9[%swap3A_136, %swap3A_137] {strides = array<i32>} : memref<8x128xf32, #tpu.memory_space<vmem>>, vector<16xf32>,
    tpu.vector_store %arg9[%swap3A_136, %swap3A_137], %broadcast_in_dim3A_1 {strides = array<i32>} : memref<8x128xf32, #tpu.memory_space<vmem>>, vector<16xf32>,
    %swap3A_139 = arith.constant 4 : i32
    %swap3A_140 = arith.index_cast %swap3A_139 : i32 to index
    %swap3A_141 = arith.constant 32 : index
    %swap3A_142 = tpu.vector_load %arg9[%swap3A_140, %swap3A_141] {strides = array<i32>} : memref<8x128xf32, #tpu.memory_space<vmem>>, vector<16xf32>,
    tpu.vector_store %arg9[%swap3A_140, %swap3A_141], %broadcast_in_dim3A_1 {strides = array<i32>} : memref<8x128xf32, #tpu.memory_space<vmem>>, vector<16xf32>,
    %swap3A_143 = arith.constant 4 : i32
    %swap3A_144 = arith.index_cast %swap3A_143 : i32 to index
    %swap3A_145 = arith.constant 48 : index
    %swap3A_146 = tpu.vector_load %arg9[%swap3A_144, %swap3A_145] {strides = array<i32>} : memref<8x128xf32, #tpu.memory_space<vmem>>, vector<16xf32>,
    tpu.vector_store %arg9[%swap3A_144, %swap3A_145], %broadcast_in_dim3A_1 {strides = array<i32>} : memref<8x128xf32, #tpu.memory_space<vmem>>, vector<16xf32>,
    %swap3A_147 = arith.constant 4 : i32
    %swap3A_148 = arith.index_cast %swap3A_147 : i32 to index
    %swap3A_149 = arith.constant 64 : index
    %swap3A_150 = tpu.vector_load %arg9[%swap3A_148, %swap3A_149] {strides = array<i32>} : memref<8x128xf32, #tpu.memory_space<vmem>>, vector<16xf32>,
    tpu.vector_store %arg9[%swap3A_148, %swap3A_149], %broadcast_in_dim3A_1 {strides = array<i32>} : memref<8x128xf32, #tpu.memory_space<vmem>>, vector<16xf32>,
    %swap3A_151 = arith.constant 4 : i32
    %swap3A_152 = arith.index_cast %swap3A_151 : i32 to index
    %swap3A_153 = arith.constant 80 : index
    %swap3A_154 = tpu.vector_load %arg9[%swap3A_152, %swap3A_153] {strides = array<i32>} : memref<8x128xf32, #tpu.memory_space<vmem>>, vector<16xf32>,
    tpu.vector_store %arg9[%swap3A_152, %swap3A_153], %broadcast_in_dim3A_1 {strides = array<i32>} : memref<8x128xf32, #tpu.memory_space<vmem>>, vector<16xf32>,
    %swap3A_155 = arith.constant 4 : i32
    %swap3A_156 = arith.index_cast %swap3A_155 : i32 to index
    %swap3A_157 = arith.constant 96 : index
    %swap3A_158 = tpu.vector_load %arg9[%swap3A_156, %swap3A_157] {strides = array<i32>} : memref<8x128xf32, #tpu.memory_space<vmem>>, vector<16xf32>,
    tpu.vector_store %arg9[%swap3A_156, %swap3A_157], %broadcast_in_dim3A_1 {strides = array<i32>} : memref<8x128xf32, #tpu.memory_space<vmem>>, vector<16xf32>,
    %swap3A_159 = arith.constant 4 : i32
    %swap3A_160 = arith.index_cast %swap3A_159 : i32 to index
    %swap3A_161 = arith.constant 112 : index
    %swap3A_162 = tpu.vector_load %arg9[%swap3A_160, %swap3A_161] {strides = array<i32>} : memref<8x128xf32, #tpu.memory_space<vmem>>, vector<16xf32>,
    tpu.vector_store %arg9[%swap3A_160, %swap3A_161], %broadcast_in_dim3A_1 {strides = array<i32>} : memref<8x128xf32, #tpu.memory_space<vmem>>, vector<16xf32>,
    %swap3A_163 = arith.constant 5 : i32
    %swap3A_164 = arith.index_cast %swap3A_163 : i32 to index
    %swap3A_165 = arith.constant 0 : index
    %swap3A_166 = tpu.vector_load %arg9[%swap3A_164, %swap3A_165] {strides = array<i32>} : memref<8x128xf32, #tpu.memory_space<vmem>>, vector<16xf32>,
    tpu.vector_store %arg9[%swap3A_164, %swap3A_165], %broadcast_in_dim3A_1 {strides = array<i32>} : memref<8x128xf32, #tpu.memory_space<vmem>>, vector<16xf32>,
    %swap3A_167 = arith.constant 5 : i32
    %swap3A_168 = arith.index_cast %swap3A_167 : i32 to index
    %swap3A_169 = arith.constant 16 : index
    %swap3A_170 = tpu.vector_load %arg9[%swap3A_168, %swap3A_169] {strides = array<i32>} : memref<8x128xf32, #tpu.memory_space<vmem>>, vector<16xf32>,
    tpu.vector_store %arg9[%swap3A_168, %swap3A_169], %broadcast_in_dim3A_1 {strides = array<i32>} : memref<8x128xf32, #tpu.memory_space<vmem>>, vector<16xf32>,
    %swap3A_171 = arith.constant 5 : i32
    %swap3A_172 = arith.index_cast %swap3A_171 : i32 to index
    %swap3A_173 = arith.constant 32 : index
    %swap3A_174 = tpu.vector_load %arg9[%swap3A_172, %swap3A_173] {strides = array<i32>} : memref<8x128xf32, #tpu.memory_space<vmem>>, vector<16xf32>,
    tpu.vector_store %arg9[%swap3A_172, %swap3A_173], %broadcast_in_dim3A_1 {strides = array<i32>} : memref<8x128xf32, #tpu.memory_space<vmem>>, vector<16xf32>,
    %swap3A_175 = arith.constant 5 : i32
    %swap3A_176 = arith.index_cast %swap3A_175 : i32 to index
    %swap3A_177 = arith.constant 48 : index
    %swap3A_178 = tpu.vector_load %arg9[%swap3A_176, %swap3A_177] {strides = array<i32>} : memref<8x128xf32, #tpu.memory_space<vmem>>, vector<16xf32>,
    tpu.vector_store %arg9[%swap3A_176, %swap3A_177], %broadcast_in_dim3A_1 {strides = array<i32>} : memref<8x128xf32, #tpu.memory_space<vmem>>, vector<16xf32>,
    %swap3A_179 = arith.constant 5 : i32
    %swap3A_180 = arith.index_cast %swap3A_179 : i32 to index
    %swap3A_181 = arith.constant 64 : index
    %swap3A_182 = tpu.vector_load %arg9[%swap3A_180, %swap3A_181] {strides = array<i32>} : memref<8x128xf32, #tpu.memory_space<vmem>>, vector<16xf32>,
    tpu.vector_store %arg9[%swap3A_180, %swap3A_181], %broadcast_in_dim3A_1 {strides = array<i32>} : memref<8x128xf32, #tpu.memory_space<vmem>>, vector<16xf32>,
    %swap3A_183 = arith.constant 5 : i32
    %swap3A_184 = arith.index_cast %swap3A_183 : i32 to index
    %swap3A_185 = arith.constant 80 : index
    %swap3A_186 = tpu.vector_load %arg9[%swap3A_184, %swap3A_185] {strides = array<i32>} : memref<8x128xf32, #tpu.memory_space<vmem>>, vector<16xf32>,
    tpu.vector_store %arg9[%swap3A_184, %swap3A_185], %broadcast_in_dim3A_1 {strides = array<i32>} : memref<8x128xf32, #tpu.memory_space<vmem>>, vector<16xf32>,
    %swap3A_187 = arith.constant 5 : i32
    %swap3A_188 = arith.index_cast %swap3A_187 : i32 to index
    %swap3A_189 = arith.constant 96 : index
    %swap3A_190 = tpu.vector_load %arg9[%swap3A_188, %swap3A_189] {strides = array<i32>} : memref<8x128xf32, #tpu.memory_space<vmem>>, vector<16xf32>,
    tpu.vector_store %arg9[%swap3A_188, %swap3A_189], %broadcast_in_dim3A_1 {strides = array<i32>} : memref<8x128xf32, #tpu.memory_space<vmem>>, vector<16xf32>,
    %swap3A_191 = arith.constant 5 : i32
    %swap3A_192 = arith.index_cast %swap3A_191 : i32 to index
    %swap3A_193 = arith.constant 112 : index
    %swap3A_194 = tpu.vector_load %arg9[%swap3A_192, %swap3A_193] {strides = array<i32>} : memref<8x128xf32, #tpu.memory_space<vmem>>, vector<16xf32>,
    tpu.vector_store %arg9[%swap3A_192, %swap3A_193], %broadcast_in_dim3A_1 {strides = array<i32>} : memref<8x128xf32, #tpu.memory_space<vmem>>, vector<16xf32>,
    %swap3A_195 = arith.constant 6 : i32
    %swap3A_196 = arith.index_cast %swap3A_195 : i32 to index
    %swap3A_197 = arith.constant 0 : index
    %swap3A_198 = tpu.vector_load %arg9[%swap3A_196, %swap3A_197] {strides = array<i32>} : memref<8x128xf32, #tpu.memory_space<vmem>>, vector<16xf32>,
    tpu.vector_store %arg9[%swap3A_196, %swap3A_197], %broadcast_in_dim3A_1 {strides = array<i32>} : memref<8x128xf32, #tpu.memory_space<vmem>>, vector<16xf32>,
    %swap3A_199 = arith.constant 6 : i32
    %swap3A_200 = arith.index_cast %swap3A_199 : i32 to index
    %swap3A_201 = arith.constant 16 : index
    %swap3A_202 = tpu.vector_load %arg9[%swap3A_200, %swap3A_201] {strides = array<i32>} : memref<8x128xf32, #tpu.memory_space<vmem>>, vector<16xf32>,
    tpu.vector_store %arg9[%swap3A_200, %swap3A_201], %broadcast_in_dim3A_1 {strides = array<i32>} : memref<8x128xf32, #tpu.memory_space<vmem>>, vector<16xf32>,
    %swap3A_203 = arith.constant 6 : i32
    %swap3A_204 = arith.index_cast %swap3A_203 : i32 to index
    %swap3A_205 = arith.constant 32 : index
    %swap3A_206 = tpu.vector_load %arg9[%swap3A_204, %swap3A_205] {strides = array<i32>} : memref<8x128xf32, #tpu.memory_space<vmem>>, vector<16xf32>,
    tpu.vector_store %arg9[%swap3A_204, %swap3A_205], %broadcast_in_dim3A_1 {strides = array<i32>} : memref<8x128xf32, #tpu.memory_space<vmem>>, vector<16xf32>,
    %swap3A_207 = arith.constant 6 : i32
    %swap3A_208 = arith.index_cast %swap3A_207 : i32 to index
    %swap3A_209 = arith.constant 48 : index
    %swap3A_210 = tpu.vector_load %arg9[%swap3A_208, %swap3A_209] {strides = array<i32>} : memref<8x128xf32, #tpu.memory_space<vmem>>, vector<16xf32>,
    tpu.vector_store %arg9[%swap3A_208, %swap3A_209], %broadcast_in_dim3A_1 {strides = array<i32>} : memref<8x128xf32, #tpu.memory_space<vmem>>, vector<16xf32>,
    %swap3A_211 = arith.constant 6 : i32
    %swap3A_212 = arith.index_cast %swap3A_211 : i32 to index
    %swap3A_213 = arith.constant 64 : index
    %swap3A_214 = tpu.vector_load %arg9[%swap3A_212, %swap3A_213] {strides = array<i32>} : memref<8x128xf32, #tpu.memory_space<vmem>>, vector<16xf32>,
    tpu.vector_store %arg9[%swap3A_212, %swap3A_213], %broadcast_in_dim3A_1 {strides = array<i32>} : memref<8x128xf32, #tpu.memory_space<vmem>>, vector<16xf32>,
    %swap3A_215 = arith.constant 6 : i32
    %swap3A_216 = arith.index_cast %swap3A_215 : i32 to index
    %swap3A_217 = arith.constant 80 : index
    %swap3A_218 = tpu.vector_load %arg9[%swap3A_216, %swap3A_217] {strides = array<i32>} : memref<8x128xf32, #tpu.memory_space<vmem>>, vector<16xf32>,
    tpu.vector_store %arg9[%swap3A_216, %swap3A_217], %broadcast_in_dim3A_1 {strides = array<i32>} : memref<8x128xf32, #tpu.memory_space<vmem>>, vector<16xf32>,
    %swap3A_219 = arith.constant 6 : i32
    %swap3A_220 = arith.index_cast %swap3A_219 : i32 to index
    %swap3A_221 = arith.constant 96 : index
    %swap3A_222 = tpu.vector_load %arg9[%swap3A_220, %swap3A_221] {strides = array<i32>} : memref<8x128xf32, #tpu.memory_space<vmem>>, vector<16xf32>,
    tpu.vector_store %arg9[%swap3A_220, %swap3A_221], %broadcast_in_dim3A_1 {strides = array<i32>} : memref<8x128xf32, #tpu.memory_space<vmem>>, vector<16xf32>,
    %swap3A_223 = arith.constant 6 : i32
    %swap3A_224 = arith.index_cast %swap3A_223 : i32 to index
    %swap3A_225 = arith.constant 112 : index
    %swap3A_226 = tpu.vector_load %arg9[%swap3A_224, %swap3A_225] {strides = array<i32>} : memref<8x128xf32, #tpu.memory_space<vmem>>, vector<16xf32>,
    tpu.vector_store %arg9[%swap3A_224, %swap3A_225], %broadcast_in_dim3A_1 {strides = array<i32>} : memref<8x128xf32, #tpu.memory_space<vmem>>, vector<16xf32>,
    %swap3A_227 = arith.constant 7 : i32
    %swap3A_228 = arith.index_cast %swap3A_227 : i32 to index
    %swap3A_229 = arith.constant 0 : index
    %swap3A_230 = tpu.vector_load %arg9[%swap3A_228, %swap3A_229] {strides = array<i32>} : memref<8x128xf32, #tpu.memory_space<vmem>>, vector<16xf32>,
    tpu.vector_store %arg9[%swap3A_228, %swap3A_229], %broadcast_in_dim3A_1 {strides = array<i32>} : memref<8x128xf32, #tpu.memory_space<vmem>>, vector<16xf32>,
    %swap3A_231 = arith.constant 7 : i32
    %swap3A_232 = arith.index_cast %swap3A_231 : i32 to index
    %swap3A_233 = arith.constant 16 : index
    %swap3A_234 = tpu.vector_load %arg9[%swap3A_232, %swap3A_233] {strides = array<i32>} : memref<8x128xf32, #tpu.memory_space<vmem>>, vector<16xf32>,
    tpu.vector_store %arg9[%swap3A_232, %swap3A_233], %broadcast_in_dim3A_1 {strides = array<i32>} : memref<8x128xf32, #tpu.memory_space<vmem>>, vector<16xf32>,
    %swap3A_235 = arith.constant 7 : i32
    %swap3A_236 = arith.index_cast %swap3A_235 : i32 to index
    %swap3A_237 = arith.constant 32 : index
    %swap3A_238 = tpu.vector_load %arg9[%swap3A_236, %swap3A_237] {strides = array<i32>} : memref<8x128xf32, #tpu.memory_space<vmem>>, vector<16xf32>,
    tpu.vector_store %arg9[%swap3A_236, %swap3A_237], %broadcast_in_dim3A_1 {strides = array<i32>} : memref<8x128xf32, #tpu.memory_space<vmem>>, vector<16xf32>,
    %swap3A_239 = arith.constant 7 : i32
    %swap3A_240 = arith.index_cast %swap3A_239 : i32 to index
    %swap3A_241 = arith.constant 48 : index
    %swap3A_242 = tpu.vector_load %arg9[%swap3A_240, %swap3A_241] {strides = array<i32>} : memref<8x128xf32, #tpu.memory_space<vmem>>, vector<16xf32>,
    tpu.vector_store %arg9[%swap3A_240, %swap3A_241], %broadcast_in_dim3A_1 {strides = array<i32>} : memref<8x128xf32, #tpu.memory_space<vmem>>, vector<16xf32>,
    %swap3A_243 = arith.constant 7 : i32
    %swap3A_244 = arith.index_cast %swap3A_243 : i32 to index
    %swap3A_245 = arith.constant 64 : index
    %swap3A_246 = tpu.vector_load %arg9[%swap3A_244, %swap3A_245] {strides = array<i32>} : memref<8x128xf32, #tpu.memory_space<vmem>>, vector<16xf32>,
    tpu.vector_store %arg9[%swap3A_244, %swap3A_245], %broadcast_in_dim3A_1 {strides = array<i32>} : memref<8x128xf32, #tpu.memory_space<vmem>>, vector<16xf32>,
    %swap3A_247 = arith.constant 7 : i32
    %swap3A_248 = arith.index_cast %swap3A_247 : i32 to index
    %swap3A_249 = arith.constant 80 : index
    %swap3A_250 = tpu.vector_load %arg9[%swap3A_248, %swap3A_249] {strides = array<i32>} : memref<8x128xf32, #tpu.memory_space<vmem>>, vector<16xf32>,
    tpu.vector_store %arg9[%swap3A_248, %swap3A_249], %broadcast_in_dim3A_1 {strides = array<i32>} : memref<8x128xf32, #tpu.memory_space<vmem>>, vector<16xf32>,
    %swap3A_251 = arith.constant 7 : i32
    %swap3A_252 = arith.index_cast %swap3A_251 : i32 to index
    %swap3A_253 = arith.constant 96 : index
    %swap3A_254 = tpu.vector_load %arg9[%swap3A_252, %swap3A_253] {strides = array<i32>} : memref<8x128xf32, #tpu.memory_space<vmem>>, vector<16xf32>,
    tpu.vector_store %arg9[%swap3A_252, %swap3A_253], %broadcast_in_dim3A_1 {strides = array<i32>} : memref<8x128xf32, #tpu.memory_space<vmem>>, vector<16xf32>,
    %swap3A_255 = arith.constant 7 : i32
    %swap3A_256 = arith.index_cast %swap3A_255 : i32 to index
    %swap3A_257 = arith.constant 112 : index
    %swap3A_258 = tpu.vector_load %arg9[%swap3A_256, %swap3A_257] {strides = array<i32>} : memref<8x128xf32, #tpu.memory_space<vmem>>, vector<16xf32>,
    tpu.vector_store %arg9[%swap3A_256, %swap3A_257], %broadcast_in_dim3A_1 {strides = array<i32>} : memref<8x128xf32, #tpu.memory_space<vmem>>, vector<16xf32>,
    %swap3A_259 = arith.constant 0 : index
    %swap3A_260 = tpu.vector_load %arg8[%swap3A_259] {strides = array<i32>} : memref<1024xf32, #tpu.memory_space<vmem>>, vector<16xf32>,
    tpu.vector_store %arg8[%swap3A_259], %broadcast_in_dim3A_1 {strides = array<i32>} : memref<1024xf32, #tpu.memory_space<vmem>>, vector<16xf32>,
    %swap3A_261 = arith.constant 16 : index
    %swap3A_262 = tpu.vector_load %arg8[%swap3A_261] {strides = array<i32>} : memref<1024xf32, #tpu.memory_space<vmem>>, vector<16xf32>,
    tpu.vector_store %arg8[%swap3A_261], %broadcast_in_dim3A_1 {strides = array<i32>} : memref<1024xf32, #tpu.memory_space<vmem>>, vector<16xf32>,
    %swap3A_263 = arith.constant 32 : index
    %swap3A_264 = tpu.vector_load %arg8[%swap3A_263] {strides = array<i32>} : memref<1024xf32, #tpu.memory_space<vmem>>, vector<16xf32>,
    tpu.vector_store %arg8[%swap3A_263], %broadcast_in_dim3A_1 {strides = array<i32>} : memref<1024xf32, #tpu.memory_space<vmem>>, vector<16xf32>,
    %swap3A_265 = arith.constant 48 : index
    %swap3A_266 = tpu.vector_load %arg8[%swap3A_265] {strides = array<i32>} : memref<1024xf32, #tpu.memory_space<vmem>>, vector<16xf32>,
    tpu.vector_store %arg8[%swap3A_265], %broadcast_in_dim3A_1 {strides = array<i32>} : memref<1024xf32, #tpu.memory_space<vmem>>, vector<16xf32>,
    %swap3A_267 = arith.constant 64 : index
    %swap3A_268 = tpu.vector_load %arg8[%swap3A_267] {strides = array<i32>} : memref<1024xf32, #tpu.memory_space<vmem>>, vector<16xf32>,
    tpu.vector_store %arg8[%swap3A_267], %broadcast_in_dim3A_1 {strides = array<i32>} : memref<1024xf32, #tpu.memory_space<vmem>>, vector<16xf32>,
    %swap3A_269 = arith.constant 80 : index
    %swap3A_270 = tpu.vector_load %arg8[%swap3A_269] {strides = array<i32>} : memref<1024xf32, #tpu.memory_space<vmem>>, vector<16xf32>,
    tpu.vector_store %arg8[%swap3A_269], %broadcast_in_dim3A_1 {strides = array<i32>} : memref<1024xf32, #tpu.memory_space<vmem>>, vector<16xf32>,
    %swap3A_271 = arith.constant 96 : index
    %swap3A_272 = tpu.vector_load %arg8[%swap3A_271] {strides = array<i32>} : memref<1024xf32, #tpu.memory_space<vmem>>, vector<16xf32>,
    tpu.vector_store %arg8[%swap3A_271], %broadcast_in_dim3A_1 {strides = array<i32>} : memref<1024xf32, #tpu.memory_space<vmem>>, vector<16xf32>,
    %swap3A_273 = arith.constant 112 : index
    %swap3A_274 = tpu.vector_load %arg8[%swap3A_273] {strides = array<i32>} : memref<1024xf32, #tpu.memory_space<vmem>>, vector<16xf32>,
    tpu.vector_store %arg8[%swap3A_273], %broadcast_in_dim3A_1 {strides = array<i32>} : memref<1024xf32, #tpu.memory_space<vmem>>, vector<16xf32>,
    %swap3A_275 = arith.constant 128 : index
    %swap3A_276 = tpu.vector_load %arg8[%swap3A_275] {strides = array<i32>} : memref<1024xf32, #tpu.memory_space<vmem>>, vector<16xf32>,
    tpu.vector_store %arg8[%swap3A_275], %broadcast_in_dim3A_1 {strides = array<i32>} : memref<1024xf32, #tpu.memory_space<vmem>>, vector<16xf32>,
    %swap3A_277 = arith.constant 144 : index
    %swap3A_278 = tpu.vector_load %arg8[%swap3A_277] {strides = array<i32>} : memref<1024xf32, #tpu.memory_space<vmem>>, vector<16xf32>,
    tpu.vector_store %arg8[%swap3A_277], %broadcast_in_dim3A_1 {strides = array<i32>} : memref<1024xf32, #tpu.memory_space<vmem>>, vector<16xf32>,
    %swap3A_279 = arith.constant 160 : index
    %swap3A_280 = tpu.vector_load %arg8[%swap3A_279] {strides = array<i32>} : memref<1024xf32, #tpu.memory_space<vmem>>, vector<16xf32>,
    tpu.vector_store %arg8[%swap3A_279], %broadcast_in_dim3A_1 {strides = array<i32>} : memref<1024xf32, #tpu.memory_space<vmem>>, vector<16xf32>,
    %swap3A_281 = arith.constant 176 : index
    %swap3A_282 = tpu.vector_load %arg8[%swap3A_281] {strides = array<i32>} : memref<1024xf32, #tpu.memory_space<vmem>>, vector<16xf32>,
    tpu.vector_store %arg8[%swap3A_281], %broadcast_in_dim3A_1 {strides = array<i32>} : memref<1024xf32, #tpu.memory_space<vmem>>, vector<16xf32>,
    %swap3A_283 = arith.constant 192 : index
    %swap3A_284 = tpu.vector_load %arg8[%swap3A_283] {strides = array<i32>} : memref<1024xf32, #tpu.memory_space<vmem>>, vector<16xf32>,
    tpu.vector_store %arg8[%swap3A_283], %broadcast_in_dim3A_1 {strides = array<i32>} : memref<1024xf32, #tpu.memory_space<vmem>>, vector<16xf32>,
    %swap3A_285 = arith.constant 208 : index
    %swap3A_286 = tpu.vector_load %arg8[%swap3A_285] {strides = array<i32>} : memref<1024xf32, #tpu.memory_space<vmem>>, vector<16xf32>,
    tpu.vector_store %arg8[%swap3A_285], %broadcast_in_dim3A_1 {strides = array<i32>} : memref<1024xf32, #tpu.memory_space<vmem>>, vector<16xf32>,
    %swap3A_287 = arith.constant 224 : index
    %swap3A_288 = tpu.vector_load %arg8[%swap3A_287] {strides = array<i32>} : memref<1024xf32, #tpu.memory_space<vmem>>, vector<16xf32>,
    tpu.vector_store %arg8[%swap3A_287], %broadcast_in_dim3A_1 {strides = array<i32>} : memref<1024xf32, #tpu.memory_space<vmem>>, vector<16xf32>,
    %swap3A_289 = arith.constant 240 : index
    %swap3A_290 = tpu.vector_load %arg8[%swap3A_289] {strides = array<i32>} : memref<1024xf32, #tpu.memory_space<vmem>>, vector<16xf32>,
    tpu.vector_store %arg8[%swap3A_289], %broadcast_in_dim3A_1 {strides = array<i32>} : memref<1024xf32, #tpu.memory_space<vmem>>, vector<16xf32>,
    %swap3A_291 = arith.constant 256 : index
    %swap3A_292 = tpu.vector_load %arg8[%swap3A_291] {strides = array<i32>} : memref<1024xf32, #tpu.memory_space<vmem>>, vector<16xf32>,
    tpu.vector_store %arg8[%swap3A_291], %broadcast_in_dim3A_1 {strides = array<i32>} : memref<1024xf32, #tpu.memory_space<vmem>>, vector<16xf32>,
    %swap3A_293 = arith.constant 272 : index
    %swap3A_294 = tpu.vector_load %arg8[%swap3A_293] {strides = array<i32>} : memref<1024xf32, #tpu.memory_space<vmem>>, vector<16xf32>,
    tpu.vector_store %arg8[%swap3A_293], %broadcast_in_dim3A_1 {strides = array<i32>} : memref<1024xf32, #tpu.memory_space<vmem>>, vector<16xf32>,
    %swap3A_295 = arith.constant 288 : index
    %swap3A_296 = tpu.vector_load %arg8[%swap3A_295] {strides = array<i32>} : memref<1024xf32, #tpu.memory_space<vmem>>, vector<16xf32>,
    tpu.vector_store %arg8[%swap3A_295], %broadcast_in_dim3A_1 {strides = array<i32>} : memref<1024xf32, #tpu.memory_space<vmem>>, vector<16xf32>,
    %swap3A_297 = arith.constant 304 : index
    %swap3A_298 = tpu.vector_load %arg8[%swap3A_297] {strides = array<i32>} : memref<1024xf32, #tpu.memory_space<vmem>>, vector<16xf32>,
    tpu.vector_store %arg8[%swap3A_297], %broadcast_in_dim3A_1 {strides = array<i32>} : memref<1024xf32, #tpu.memory_space<vmem>>, vector<16xf32>,
    %swap3A_299 = arith.constant 320 : index
    %swap3A_300 = tpu.vector_load %arg8[%swap3A_299] {strides = array<i32>} : memref<1024xf32, #tpu.memory_space<vmem>>, vector<16xf32>,
    tpu.vector_store %arg8[%swap3A_299], %broadcast_in_dim3A_1 {strides = array<i32>} : memref<1024xf32, #tpu.memory_space<vmem>>, vector<16xf32>,
    %swap3A_301 = arith.constant 336 : index
    %swap3A_302 = tpu.vector_load %arg8[%swap3A_301] {strides = array<i32>} : memref<1024xf32, #tpu.memory_space<vmem>>, vector<16xf32>,
    tpu.vector_store %arg8[%swap3A_301], %broadcast_in_dim3A_1 {strides = array<i32>} : memref<1024xf32, #tpu.memory_space<vmem>>, vector<16xf32>,
    %swap3A_303 = arith.constant 352 : index
    %swap3A_304 = tpu.vector_load %arg8[%swap3A_303] {strides = array<i32>} : memref<1024xf32, #tpu.memory_space<vmem>>, vector<16xf32>,
    tpu.vector_store %arg8[%swap3A_303], %broadcast_in_dim3A_1 {strides = array<i32>} : memref<1024xf32, #tpu.memory_space<vmem>>, vector<16xf32>,
    %swap3A_305 = arith.constant 368 : index
    %swap3A_306 = tpu.vector_load %arg8[%swap3A_305] {strides = array<i32>} : memref<1024xf32, #tpu.memory_space<vmem>>, vector<16xf32>,
    tpu.vector_store %arg8[%swap3A_305], %broadcast_in_dim3A_1 {strides = array<i32>} : memref<1024xf32, #tpu.memory_space<vmem>>, vector<16xf32>,
    %swap3A_307 = arith.constant 384 : index
    %swap3A_308 = tpu.vector_load %arg8[%swap3A_307] {strides = array<i32>} : memref<1024xf32, #tpu.memory_space<vmem>>, vector<16xf32>,
    tpu.vector_store %arg8[%swap3A_307], %broadcast_in_dim3A_1 {strides = array<i32>} : memref<1024xf32, #tpu.memory_space<vmem>>, vector<16xf32>,
    %swap3A_309 = arith.constant 400 : index
    %swap3A_310 = tpu.vector_load %arg8[%swap3A_309] {strides = array<i32>} : memref<1024xf32, #tpu.memory_space<vmem>>, vector<16xf32>,
    tpu.vector_store %arg8[%swap3A_309], %broadcast_in_dim3A_1 {strides = array<i32>} : memref<1024xf32, #tpu.memory_space<vmem>>, vector<16xf32>,
    %swap3A_311 = arith.constant 416 : index
    %swap3A_312 = tpu.vector_load %arg8[%swap3A_311] {strides = array<i32>} : memref<1024xf32, #tpu.memory_space<vmem>>, vector<16xf32>,
    tpu.vector_store %arg8[%swap3A_311], %broadcast_in_dim3A_1 {strides = array<i32>} : memref<1024xf32, #tpu.memory_space<vmem>>, vector<16xf32>,
    %swap3A_313 = arith.constant 432 : index
    %swap3A_314 = tpu.vector_load %arg8[%swap3A_313] {strides = array<i32>} : memref<1024xf32, #tpu.memory_space<vmem>>, vector<16xf32>,
    tpu.vector_store %arg8[%swap3A_313], %broadcast_in_dim3A_1 {strides = array<i32>} : memref<1024xf32, #tpu.memory_space<vmem>>, vector<16xf32>,
    %swap3A_315 = arith.constant 448 : index
    %swap3A_316 = tpu.vector_load %arg8[%swap3A_315] {strides = array<i32>} : memref<1024xf32, #tpu.memory_space<vmem>>, vector<16xf32>,
    tpu.vector_store %arg8[%swap3A_315], %broadcast_in_dim3A_1 {strides = array<i32>} : memref<1024xf32, #tpu.memory_space<vmem>>, vector<16xf32>,
    %swap3A_317 = arith.constant 464 : index
    %swap3A_318 = tpu.vector_load %arg8[%swap3A_317] {strides = array<i32>} : memref<1024xf32, #tpu.memory_space<vmem>>, vector<16xf32>,
    tpu.vector_store %arg8[%swap3A_317], %broadcast_in_dim3A_1 {strides = array<i32>} : memref<1024xf32, #tpu.memory_space<vmem>>, vector<16xf32>,
    %swap3A_319 = arith.constant 480 : index
    %swap3A_320 = tpu.vector_load %arg8[%swap3A_319] {strides = array<i32>} : memref<1024xf32, #tpu.memory_space<vmem>>, vector<16xf32>,
    tpu.vector_store %arg8[%swap3A_319], %broadcast_in_dim3A_1 {strides = array<i32>} : memref<1024xf32, #tpu.memory_space<vmem>>, vector<16xf32>,
    %swap3A_321 = arith.constant 496 : index
    %swap3A_322 = tpu.vector_load %arg8[%swap3A_321] {strides = array<i32>} : memref<1024xf32, #tpu.memory_space<vmem>>, vector<16xf32>,
    tpu.vector_store %arg8[%swap3A_321], %broadcast_in_dim3A_1 {strides = array<i32>} : memref<1024xf32, #tpu.memory_space<vmem>>, vector<16xf32>,
    %swap3A_323 = arith.constant 512 : index
    %swap3A_324 = tpu.vector_load %arg8[%swap3A_323] {strides = array<i32>} : memref<1024xf32, #tpu.memory_space<vmem>>, vector<16xf32>,
    tpu.vector_store %arg8[%swap3A_323], %broadcast_in_dim3A_1 {strides = array<i32>} : memref<1024xf32, #tpu.memory_space<vmem>>, vector<16xf32>,
    %swap3A_325 = arith.constant 528 : index
    %swap3A_326 = tpu.vector_load %arg8[%swap3A_325] {strides = array<i32>} : memref<1024xf32, #tpu.memory_space<vmem>>, vector<16xf32>,
    tpu.vector_store %arg8[%swap3A_325], %broadcast_in_dim3A_1 {strides = array<i32>} : memref<1024xf32, #tpu.memory_space<vmem>>, vector<16xf32>,
    %swap3A_327 = arith.constant 544 : index
    %swap3A_328 = tpu.vector_load %arg8[%swap3A_327] {strides = array<i32>} : memref<1024xf32, #tpu.memory_space<vmem>>, vector<16xf32>,
    tpu.vector_store %arg8[%swap3A_327], %broadcast_in_dim3A_1 {strides = array<i32>} : memref<1024xf32, #tpu.memory_space<vmem>>, vector<16xf32>,
    %swap3A_329 = arith.constant 560 : index
    %swap3A_330 = tpu.vector_load %arg8[%swap3A_329] {strides = array<i32>} : memref<1024xf32, #tpu.memory_space<vmem>>, vector<16xf32>,
    tpu.vector_store %arg8[%swap3A_329], %broadcast_in_dim3A_1 {strides = array<i32>} : memref<1024xf32, #tpu.memory_space<vmem>>, vector<16xf32>,
    %swap3A_331 = arith.constant 576 : index
    %swap3A_332 = tpu.vector_load %arg8[%swap3A_331] {strides = array<i32>} : memref<1024xf32, #tpu.memory_space<vmem>>, vector<16xf32>,
    tpu.vector_store %arg8[%swap3A_331], %broadcast_in_dim3A_1 {strides = array<i32>} : memref<1024xf32, #tpu.memory_space<vmem>>, vector<16xf32>,
    %swap3A_333 = arith.constant 592 : index
    %swap3A_334 = tpu.vector_load %arg8[%swap3A_333] {strides = array<i32>} : memref<1024xf32, #tpu.memory_space<vmem>>, vector<16xf32>,
    tpu.vector_store %arg8[%swap3A_333], %broadcast_in_dim3A_1 {strides = array<i32>} : memref<1024xf32, #tpu.memory_space<vmem>>, vector<16xf32>,
    %swap3A_335 = arith.constant 608 : index
    %swap3A_336 = tpu.vector_load %arg8[%swap3A_335] {strides = array<i32>} : memref<1024xf32, #tpu.memory_space<vmem>>, vector<16xf32>,
    tpu.vector_store %arg8[%swap3A_335], %broadcast_in_dim3A_1 {strides = array<i32>} : memref<1024xf32, #tpu.memory_space<vmem>>, vector<16xf32>,
    %swap3A_337 = arith.constant 624 : index
    %swap3A_338 = tpu.vector_load %arg8[%swap3A_337] {strides = array<i32>} : memref<1024xf32, #tpu.memory_space<vmem>>, vector<16xf32>,
    tpu.vector_store %arg8[%swap3A_337], %broadcast_in_dim3A_1 {strides = array<i32>} : memref<1024xf32, #tpu.memory_space<vmem>>, vector<16xf32>,
    %swap3A_339 = arith.constant 640 : index
    %swap3A_340 = tpu.vector_load %arg8[%swap3A_339] {strides = array<i32>} : memref<1024xf32, #tpu.memory_space<vmem>>, vector<16xf32>,
    tpu.vector_store %arg8[%swap3A_339], %broadcast_in_dim3A_1 {strides = array<i32>} : memref<1024xf32, #tpu.memory_space<vmem>>, vector<16xf32>,
    %swap3A_341 = arith.constant 656 : index
    %swap3A_342 = tpu.vector_load %arg8[%swap3A_341] {strides = array<i32>} : memref<1024xf32, #tpu.memory_space<vmem>>, vector<16xf32>,
    tpu.vector_store %arg8[%swap3A_341], %broadcast_in_dim3A_1 {strides = array<i32>} : memref<1024xf32, #tpu.memory_space<vmem>>, vector<16xf32>,
    %swap3A_343 = arith.constant 672 : index
    %swap3A_344 = tpu.vector_load %arg8[%swap3A_343] {strides = array<i32>} : memref<1024xf32, #tpu.memory_space<vmem>>, vector<16xf32>,
    tpu.vector_store %arg8[%swap3A_343], %broadcast_in_dim3A_1 {strides = array<i32>} : memref<1024xf32, #tpu.memory_space<vmem>>, vector<16xf32>,
    %swap3A_345 = arith.constant 688 : index
    %swap3A_346 = tpu.vector_load %arg8[%swap3A_345] {strides = array<i32>} : memref<1024xf32, #tpu.memory_space<vmem>>, vector<16xf32>,
    tpu.vector_store %arg8[%swap3A_345], %broadcast_in_dim3A_1 {strides = array<i32>} : memref<1024xf32, #tpu.memory_space<vmem>>, vector<16xf32>,
    %swap3A_347 = arith.constant 704 : index
    %swap3A_348 = tpu.vector_load %arg8[%swap3A_347] {strides = array<i32>} : memref<1024xf32, #tpu.memory_space<vmem>>, vector<16xf32>,
    tpu.vector_store %arg8[%swap3A_347], %broadcast_in_dim3A_1 {strides = array<i32>} : memref<1024xf32, #tpu.memory_space<vmem>>, vector<16xf32>,
    %swap3A_349 = arith.constant 720 : index
    %swap3A_350 = tpu.vector_load %arg8[%swap3A_349] {strides = array<i32>} : memref<1024xf32, #tpu.memory_space<vmem>>, vector<16xf32>,
    tpu.vector_store %arg8[%swap3A_349], %broadcast_in_dim3A_1 {strides = array<i32>} : memref<1024xf32, #tpu.memory_space<vmem>>, vector<16xf32>,
    %swap3A_351 = arith.constant 736 : index
    %swap3A_352 = tpu.vector_load %arg8[%swap3A_351] {strides = array<i32>} : memref<1024xf32, #tpu.memory_space<vmem>>, vector<16xf32>,
    tpu.vector_store %arg8[%swap3A_351], %broadcast_in_dim3A_1 {strides = array<i32>} : memref<1024xf32, #tpu.memory_space<vmem>>, vector<16xf32>,
    %swap3A_353 = arith.constant 752 : index
    %swap3A_354 = tpu.vector_load %arg8[%swap3A_353] {strides = array<i32>} : memref<1024xf32, #tpu.memory_space<vmem>>, vector<16xf32>,
    tpu.vector_store %arg8[%swap3A_353], %broadcast_in_dim3A_1 {strides = array<i32>} : memref<1024xf32, #tpu.memory_space<vmem>>, vector<16xf32>,
    %swap3A_355 = arith.constant 768 : index
    %swap3A_356 = tpu.vector_load %arg8[%swap3A_355] {strides = array<i32>} : memref<1024xf32, #tpu.memory_space<vmem>>, vector<16xf32>,
    tpu.vector_store %arg8[%swap3A_355], %broadcast_in_dim3A_1 {strides = array<i32>} : memref<1024xf32, #tpu.memory_space<vmem>>, vector<16xf32>,
    %swap3A_357 = arith.constant 784 : index
    %swap3A_358 = tpu.vector_load %arg8[%swap3A_357] {strides = array<i32>} : memref<1024xf32, #tpu.memory_space<vmem>>, vector<16xf32>,
    tpu.vector_store %arg8[%swap3A_357], %broadcast_in_dim3A_1 {strides = array<i32>} : memref<1024xf32, #tpu.memory_space<vmem>>, vector<16xf32>,
    %swap3A_359 = arith.constant 800 : index
    %swap3A_360 = tpu.vector_load %arg8[%swap3A_359] {strides = array<i32>} : memref<1024xf32, #tpu.memory_space<vmem>>, vector<16xf32>,
    tpu.vector_store %arg8[%swap3A_359], %broadcast_in_dim3A_1 {strides = array<i32>} : memref<1024xf32, #tpu.memory_space<vmem>>, vector<16xf32>,
    %swap3A_361 = arith.constant 816 : index
    %swap3A_362 = tpu.vector_load %arg8[%swap3A_361] {strides = array<i32>} : memref<1024xf32, #tpu.memory_space<vmem>>, vector<16xf32>,
    tpu.vector_store %arg8[%swap3A_361], %broadcast_in_dim3A_1 {strides = array<i32>} : memref<1024xf32, #tpu.memory_space<vmem>>, vector<16xf32>,
    %swap3A_363 = arith.constant 832 : index
    %swap3A_364 = tpu.vector_load %arg8[%swap3A_363] {strides = array<i32>} : memref<1024xf32, #tpu.memory_space<vmem>>, vector<16xf32>,
    tpu.vector_store %arg8[%swap3A_363], %broadcast_in_dim3A_1 {strides = array<i32>} : memref<1024xf32, #tpu.memory_space<vmem>>, vector<16xf32>,
    %swap3A_365 = arith.constant 848 : index
    %swap3A_366 = tpu.vector_load %arg8[%swap3A_365] {strides = array<i32>} : memref<1024xf32, #tpu.memory_space<vmem>>, vector<16xf32>,
    tpu.vector_store %arg8[%swap3A_365], %broadcast_in_dim3A_1 {strides = array<i32>} : memref<1024xf32, #tpu.memory_space<vmem>>, vector<16xf32>,
    %swap3A_367 = arith.constant 864 : index
    %swap3A_368 = tpu.vector_load %arg8[%swap3A_367] {strides = array<i32>} : memref<1024xf32, #tpu.memory_space<vmem>>, vector<16xf32>,
    tpu.vector_store %arg8[%swap3A_367], %broadcast_in_dim3A_1 {strides = array<i32>} : memref<1024xf32, #tpu.memory_space<vmem>>, vector<16xf32>,
    %swap3A_369 = arith.constant 880 : index
    %swap3A_370 = tpu.vector_load %arg8[%swap3A_369] {strides = array<i32>} : memref<1024xf32, #tpu.memory_space<vmem>>, vector<16xf32>,
    tpu.vector_store %arg8[%swap3A_369], %broadcast_in_dim3A_1 {strides = array<i32>} : memref<1024xf32, #tpu.memory_space<vmem>>, vector<16xf32>,
    %swap3A_371 = arith.constant 896 : index
    %swap3A_372 = tpu.vector_load %arg8[%swap3A_371] {strides = array<i32>} : memref<1024xf32, #tpu.memory_space<vmem>>, vector<16xf32>,
    tpu.vector_store %arg8[%swap3A_371], %broadcast_in_dim3A_1 {strides = array<i32>} : memref<1024xf32, #tpu.memory_space<vmem>>, vector<16xf32>,
    %swap3A_373 = arith.constant 912 : index
    %swap3A_374 = tpu.vector_load %arg8[%swap3A_373] {strides = array<i32>} : memref<1024xf32, #tpu.memory_space<vmem>>, vector<16xf32>,
    tpu.vector_store %arg8[%swap3A_373], %broadcast_in_dim3A_1 {strides = array<i32>} : memref<1024xf32, #tpu.memory_space<vmem>>, vector<16xf32>,
    %swap3A_375 = arith.constant 928 : index
    %swap3A_376 = tpu.vector_load %arg8[%swap3A_375] {strides = array<i32>} : memref<1024xf32, #tpu.memory_space<vmem>>, vector<16xf32>,
    tpu.vector_store %arg8[%swap3A_375], %broadcast_in_dim3A_1 {strides = array<i32>} : memref<1024xf32, #tpu.memory_space<vmem>>, vector<16xf32>,
    %swap3A_377 = arith.constant 944 : index
    %swap3A_378 = tpu.vector_load %arg8[%swap3A_377] {strides = array<i32>} : memref<1024xf32, #tpu.memory_space<vmem>>, vector<16xf32>,
    tpu.vector_store %arg8[%swap3A_377], %broadcast_in_dim3A_1 {strides = array<i32>} : memref<1024xf32, #tpu.memory_space<vmem>>, vector<16xf32>,
    %swap3A_379 = arith.constant 960 : index
    %swap3A_380 = tpu.vector_load %arg8[%swap3A_379] {strides = array<i32>} : memref<1024xf32, #tpu.memory_space<vmem>>, vector<16xf32>,
    tpu.vector_store %arg8[%swap3A_379], %broadcast_in_dim3A_1 {strides = array<i32>} : memref<1024xf32, #tpu.memory_space<vmem>>, vector<16xf32>,
    %swap3A_381 = arith.constant 976 : index
    %swap3A_382 = tpu.vector_load %arg8[%swap3A_381] {strides = array<i32>} : memref<1024xf32, #tpu.memory_space<vmem>>, vector<16xf32>,
    tpu.vector_store %arg8[%swap3A_381], %broadcast_in_dim3A_1 {strides = array<i32>} : memref<1024xf32, #tpu.memory_space<vmem>>, vector<16xf32>,
    %swap3A_383 = arith.constant 992 : index
    %swap3A_384 = tpu.vector_load %arg8[%swap3A_383] {strides = array<i32>} : memref<1024xf32, #tpu.memory_space<vmem>>, vector<16xf32>,
    tpu.vector_store %arg8[%swap3A_383], %broadcast_in_dim3A_1 {strides = array<i32>} : memref<1024xf32, #tpu.memory_space<vmem>>, vector<16xf32>,
    %swap3A_385 = arith.constant 1008 : index
    %swap3A_386 = tpu.vector_load %arg8[%swap3A_385] {strides = array<i32>} : memref<1024xf32, #tpu.memory_space<vmem>>, vector<16xf32>,
    tpu.vector_store %arg8[%swap3A_385], %broadcast_in_dim3A_1 {strides = array<i32>} : memref<1024xf32, #tpu.memory_space<vmem>>, vector<16xf32>,
    %mul3A_387 = arith.constant 64 : i32
    %mul3A_388 = arith.muli %arg1, %mul3A_387 : i32
    %add3A_389 = arith.constant 0 : i32
    %add3A_390 = arith.addi %mul3A_388, %add3A_389 : i32
    %dma_start3A = arith.constant 0 : i32
    %dma_start3A_391 = tpu.memref_slice %arg10[%add3A_390, %dma_start3A] : memref<1024x128xf32, #tpu.memory_space<vmem_shared>> -> memref<8x128xf32, #tpu.memory_space<vmem_shared>>
    %dma_start3A_392 = arith.constant 0 : i32
    %dma_start3A_393 = tpu.memref_slice %arg10[%add3A_390, %dma_start3A_392] : memref<1024x128xf32, #tpu.memory_space<vmem_shared>> -> memref<8x128xf32, #tpu.memory_space<vmem_shared>>
    tpu.enqueue_dma source(%arg9 : memref<8x128xf32, #tpu.memory_space<vmem>>) target(%dma_start3A_393 : memref<8x128xf32, #tpu.memory_space<vmem_shared>>) target_semaphore(%arg11 : memref<!tpu.dma_semaphore, #tpu.memory_space<semaphore_mem>>)
    %mul3A_394 = arith.constant 64 : i32
    %mul3A_395 = arith.muli %arg1, %mul3A_394 : i32
    %add3A_396 = arith.constant 8 : i32
    %add3A_397 = arith.addi %mul3A_395, %add3A_396 : i32
    %dma_start3A_398 = arith.constant 0 : i32
    %dma_start3A_399 = tpu.memref_slice %arg10[%add3A_397, %dma_start3A_398] : memref<1024x128xf32, #tpu.memory_space<vmem_shared>> -> memref<8x128xf32, #tpu.memory_space<vmem_shared>>
    %dma_start3A_400 = arith.constant 0 : i32
    %dma_start3A_401 = tpu.memref_slice %arg10[%add3A_397, %dma_start3A_400] : memref<1024x128xf32, #tpu.memory_space<vmem_shared>> -> memref<8x128xf32, #tpu.memory_space<vmem_shared>>
    tpu.enqueue_dma source(%arg9 : memref<8x128xf32, #tpu.memory_space<vmem>>) target(%dma_start3A_401 : memref<8x128xf32, #tpu.memory_space<vmem_shared>>) target_semaphore(%arg11 : memref<!tpu.dma_semaphore, #tpu.memory_space<semaphore_mem>>)
    %mul3A_402 = arith.constant 64 : i32
    %mul3A_403 = arith.muli %arg1, %mul3A_402 : i32
    %add3A_404 = arith.constant 16 : i32
    %add3A_405 = arith.addi %mul3A_403, %add3A_404 : i32
    %dma_start3A_406 = arith.constant 0 : i32
    %dma_start3A_407 = tpu.memref_slice %arg10[%add3A_405, %dma_start3A_406] : memref<1024x128xf32, #tpu.memory_space<vmem_shared>> -> memref<8x128xf32, #tpu.memory_space<vmem_shared>>
    %dma_start3A_408 = arith.constant 0 : i32
    %dma_start3A_409 = tpu.memref_slice %arg10[%add3A_405, %dma_start3A_408] : memref<1024x128xf32, #tpu.memory_space<vmem_shared>> -> memref<8x128xf32, #tpu.memory_space<vmem_shared>>
    tpu.enqueue_dma source(%arg9 : memref<8x128xf32, #tpu.memory_space<vmem>>) target(%dma_start3A_409 : memref<8x128xf32, #tpu.memory_space<vmem_shared>>) target_semaphore(%arg11 : memref<!tpu.dma_semaphore, #tpu.memory_space<semaphore_mem>>)
    %mul3A_410 = arith.constant 64 : i32
    %mul3A_411 = arith.muli %arg1, %mul3A_410 : i32
    %add3A_412 = arith.constant 24 : i32
    %add3A_413 = arith.addi %mul3A_411, %add3A_412 : i32
    %dma_start3A_414 = arith.constant 0 : i32
    %dma_start3A_415 = tpu.memref_slice %arg10[%add3A_413, %dma_start3A_414] : memref<1024x128xf32, #tpu.memory_space<vmem_shared>> -> memref<8x128xf32, #tpu.memory_space<vmem_shared>>
    %dma_start3A_416 = arith.constant 0 : i32
    %dma_start3A_417 = tpu.memref_slice %arg10[%add3A_413, %dma_start3A_416] : memref<1024x128xf32, #tpu.memory_space<vmem_shared>> -> memref<8x128xf32, #tpu.memory_space<vmem_shared>>
    tpu.enqueue_dma source(%arg9 : memref<8x128xf32, #tpu.memory_space<vmem>>) target(%dma_start3A_417 : memref<8x128xf32, #tpu.memory_space<vmem_shared>>) target_semaphore(%arg11 : memref<!tpu.dma_semaphore, #tpu.memory_space<semaphore_mem>>)
    %mul3A_418 = arith.constant 64 : i32
    %mul3A_419 = arith.muli %arg1, %mul3A_418 : i32
    %add3A_420 = arith.constant 32 : i32
    %add3A_421 = arith.addi %mul3A_419, %add3A_420 : i32
    %dma_start3A_422 = arith.constant 0 : i32
    %dma_start3A_423 = tpu.memref_slice %arg10[%add3A_421, %dma_start3A_422] : memref<1024x128xf32, #tpu.memory_space<vmem_shared>> -> memref<8x128xf32, #tpu.memory_space<vmem_shared>>
    %dma_start3A_424 = arith.constant 0 : i32
    %dma_start3A_425 = tpu.memref_slice %arg10[%add3A_421, %dma_start3A_424] : memref<1024x128xf32, #tpu.memory_space<vmem_shared>> -> memref<8x128xf32, #tpu.memory_space<vmem_shared>>
    tpu.enqueue_dma source(%arg9 : memref<8x128xf32, #tpu.memory_space<vmem>>) target(%dma_start3A_425 : memref<8x128xf32, #tpu.memory_space<vmem_shared>>) target_semaphore(%arg11 : memref<!tpu.dma_semaphore, #tpu.memory_space<semaphore_mem>>)
    %mul3A_426 = arith.constant 64 : i32
    %mul3A_427 = arith.muli %arg1, %mul3A_426 : i32
    %add3A_428 = arith.constant 40 : i32
    %add3A_429 = arith.addi %mul3A_427, %add3A_428 : i32
    %dma_start3A_430 = arith.constant 0 : i32
    %dma_start3A_431 = tpu.memref_slice %arg10[%add3A_429, %dma_start3A_430] : memref<1024x128xf32, #tpu.memory_space<vmem_shared>> -> memref<8x128xf32, #tpu.memory_space<vmem_shared>>
    %dma_start3A_432 = arith.constant 0 : i32
    %dma_start3A_433 = tpu.memref_slice %arg10[%add3A_429, %dma_start3A_432] : memref<1024x128xf32, #tpu.memory_space<vmem_shared>> -> memref<8x128xf32, #tpu.memory_space<vmem_shared>>
    tpu.enqueue_dma source(%arg9 : memref<8x128xf32, #tpu.memory_space<vmem>>) target(%dma_start3A_433 : memref<8x128xf32, #tpu.memory_space<vmem_shared>>) target_semaphore(%arg11 : memref<!tpu.dma_semaphore, #tpu.memory_space<semaphore_mem>>)
    %mul3A_434 = arith.constant 64 : i32
    %mul3A_435 = arith.muli %arg1, %mul3A_434 : i32
    %add3A_436 = arith.constant 48 : i32
    %add3A_437 = arith.addi %mul3A_435, %add3A_436 : i32
    %dma_start3A_438 = arith.constant 0 : i32
    %dma_start3A_439 = tpu.memref_slice %arg10[%add3A_437, %dma_start3A_438] : memref<1024x128xf32, #tpu.memory_space<vmem_shared>> -> memref<8x128xf32, #tpu.memory_space<vmem_shared>>
    %dma_start3A_440 = arith.constant 0 : i32
    %dma_start3A_441 = tpu.memref_slice %arg10[%add3A_437, %dma_start3A_440] : memref<1024x128xf32, #tpu.memory_space<vmem_shared>> -> memref<8x128xf32, #tpu.memory_space<vmem_shared>>
    tpu.enqueue_dma source(%arg9 : memref<8x128xf32, #tpu.memory_space<vmem>>) target(%dma_start3A_441 : memref<8x128xf32, #tpu.memory_space<vmem_shared>>) target_semaphore(%arg11 : memref<!tpu.dma_semaphore, #tpu.memory_space<semaphore_mem>>)
    %mul3A_442 = arith.constant 64 : i32
    %mul3A_443 = arith.muli %arg1, %mul3A_442 : i32
    %add3A_444 = arith.constant 56 : i32
    %add3A_445 = arith.addi %mul3A_443, %add3A_444 : i32
    %dma_start3A_446 = arith.constant 0 : i32
    %dma_start3A_447 = tpu.memref_slice %arg10[%add3A_445, %dma_start3A_446] : memref<1024x128xf32, #tpu.memory_space<vmem_shared>> -> memref<8x128xf32, #tpu.memory_space<vmem_shared>>
    %dma_start3A_448 = arith.constant 0 : i32
    %dma_start3A_449 = tpu.memref_slice %arg10[%add3A_445, %dma_start3A_448] : memref<1024x128xf32, #tpu.memory_space<vmem_shared>> -> memref<8x128xf32, #tpu.memory_space<vmem_shared>>
    tpu.enqueue_dma source(%arg9 : memref<8x128xf32, #tpu.memory_space<vmem>>) target(%dma_start3A_449 : memref<8x128xf32, #tpu.memory_space<vmem_shared>>) target_semaphore(%arg11 : memref<!tpu.dma_semaphore, #tpu.memory_space<semaphore_mem>>)
    %mul3A_450 = arith.constant 4 : i32
    %mul3A_451 = arith.muli %add3A, %mul3A_450 : i32
    "tpu.region"() ({
      %run_scoped3A = tpu.sem_alloc : memref<!tpu.dma_semaphore, #tpu.memory_space<semaphore_mem>>
      %dma_start3A_801 = arith.constant 0 : i32
      %dma_start3A_802 = tpu.memref_slice %arg3[%mul3A_451, %dma_start3A_801] : memref<128x128xi32, #tpu.memory_space<hbm>> -> memref<4x128xi32, #tpu.memory_space<hbm>>
      %dma_start3A_803 = arith.constant 0 : i32
      %dma_start3A_804 = tpu.memref_slice %arg3[%mul3A_451, %dma_start3A_803] : memref<128x128xi32, #tpu.memory_space<hbm>> -> memref<4x128xi32, #tpu.memory_space<hbm>>
      tpu.enqueue_dma source(%dma_start3A_804 : memref<4x128xi32, #tpu.memory_space<hbm>>) target(%arg6 : memref<4x128xi32, #tpu.memory_space<vmem>>) target_semaphore(%run_scoped3A : memref<!tpu.dma_semaphore, #tpu.memory_space<semaphore_mem>>)
      %dma_wait3A_805 = arith.constant 0 : i32
      %dma_wait3A_806 = tpu.memref_slice %arg3[%mul3A_451, %dma_wait3A_805] : memref<128x128xi32, #tpu.memory_space<hbm>> -> memref<4x128xi32, #tpu.memory_space<hbm>>
      %dma_wait3A_807 = arith.constant 0 : i32
      %dma_wait3A_808 = tpu.memref_slice %arg3[%mul3A_451, %dma_wait3A_807] : memref<128x128xi32, #tpu.memory_space<hbm>> -> memref<4x128xi32, #tpu.memory_space<hbm>>
      tpu.wait_dma2 semaphore(%run_scoped3A : memref<!tpu.dma_semaphore, #tpu.memory_space<semaphore_mem>>) src(%dma_wait3A_808 : memref<4x128xi32, #tpu.memory_space<hbm>>) dst(%arg6 : memref<4x128xi32, #tpu.memory_space<vmem>>)
      tpu.yield
    }) : () -> ()
    %dma_wait3A = arith.constant 0 : i32
    %dma_wait3A_452 = tpu.memref_slice %arg10[%add3A_390, %dma_wait3A] : memref<1024x128xf32, #tpu.memory_space<vmem_shared>> -> memref<8x128xf32, #tpu.memory_space<vmem_shared>>
    %dma_wait3A_453 = arith.constant 0 : i32
    %dma_wait3A_454 = tpu.memref_slice %arg10[%add3A_390, %dma_wait3A_453] : memref<1024x128xf32, #tpu.memory_space<vmem_shared>> -> memref<8x128xf32, #tpu.memory_space<vmem_shared>>
    tpu.wait_dma2 semaphore(%arg11 : memref<!tpu.dma_semaphore, #tpu.memory_space<semaphore_mem>>) src(%arg9 : memref<8x128xf32, #tpu.memory_space<vmem>>) dst(%dma_wait3A_454 : memref<8x128xf32, #tpu.memory_space<vmem_shared>>)
    %dma_wait3A_455 = arith.constant 0 : i32
    %dma_wait3A_456 = tpu.memref_slice %arg10[%add3A_397, %dma_wait3A_455] : memref<1024x128xf32, #tpu.memory_space<vmem_shared>> -> memref<8x128xf32, #tpu.memory_space<vmem_shared>>
    %dma_wait3A_457 = arith.constant 0 : i32
    %dma_wait3A_458 = tpu.memref_slice %arg10[%add3A_397, %dma_wait3A_457] : memref<1024x128xf32, #tpu.memory_space<vmem_shared>> -> memref<8x128xf32, #tpu.memory_space<vmem_shared>>
    tpu.wait_dma2 semaphore(%arg11 : memref<!tpu.dma_semaphore, #tpu.memory_space<semaphore_mem>>) src(%arg9 : memref<8x128xf32, #tpu.memory_space<vmem>>) dst(%dma_wait3A_458 : memref<8x128xf32, #tpu.memory_space<vmem_shared>>)
    %dma_wait3A_459 = arith.constant 0 : i32
    %dma_wait3A_460 = tpu.memref_slice %arg10[%add3A_405, %dma_wait3A_459] : memref<1024x128xf32, #tpu.memory_space<vmem_shared>> -> memref<8x128xf32, #tpu.memory_space<vmem_shared>>
    %dma_wait3A_461 = arith.constant 0 : i32
    %dma_wait3A_462 = tpu.memref_slice %arg10[%add3A_405, %dma_wait3A_461] : memref<1024x128xf32, #tpu.memory_space<vmem_shared>> -> memref<8x128xf32, #tpu.memory_space<vmem_shared>>
    tpu.wait_dma2 semaphore(%arg11 : memref<!tpu.dma_semaphore, #tpu.memory_space<semaphore_mem>>) src(%arg9 : memref<8x128xf32, #tpu.memory_space<vmem>>) dst(%dma_wait3A_462 : memref<8x128xf32, #tpu.memory_space<vmem_shared>>)
    %dma_wait3A_463 = arith.constant 0 : i32
    %dma_wait3A_464 = tpu.memref_slice %arg10[%add3A_413, %dma_wait3A_463] : memref<1024x128xf32, #tpu.memory_space<vmem_shared>> -> memref<8x128xf32, #tpu.memory_space<vmem_shared>>
    %dma_wait3A_465 = arith.constant 0 : i32
    %dma_wait3A_466 = tpu.memref_slice %arg10[%add3A_413, %dma_wait3A_465] : memref<1024x128xf32, #tpu.memory_space<vmem_shared>> -> memref<8x128xf32, #tpu.memory_space<vmem_shared>>
    tpu.wait_dma2 semaphore(%arg11 : memref<!tpu.dma_semaphore, #tpu.memory_space<semaphore_mem>>) src(%arg9 : memref<8x128xf32, #tpu.memory_space<vmem>>) dst(%dma_wait3A_466 : memref<8x128xf32, #tpu.memory_space<vmem_shared>>)
    %dma_wait3A_467 = arith.constant 0 : i32
    %dma_wait3A_468 = tpu.memref_slice %arg10[%add3A_421, %dma_wait3A_467] : memref<1024x128xf32, #tpu.memory_space<vmem_shared>> -> memref<8x128xf32, #tpu.memory_space<vmem_shared>>
    %dma_wait3A_469 = arith.constant 0 : i32
    %dma_wait3A_470 = tpu.memref_slice %arg10[%add3A_421, %dma_wait3A_469] : memref<1024x128xf32, #tpu.memory_space<vmem_shared>> -> memref<8x128xf32, #tpu.memory_space<vmem_shared>>
    tpu.wait_dma2 semaphore(%arg11 : memref<!tpu.dma_semaphore, #tpu.memory_space<semaphore_mem>>) src(%arg9 : memref<8x128xf32, #tpu.memory_space<vmem>>) dst(%dma_wait3A_470 : memref<8x128xf32, #tpu.memory_space<vmem_shared>>)
    %dma_wait3A_471 = arith.constant 0 : i32
    %dma_wait3A_472 = tpu.memref_slice %arg10[%add3A_429, %dma_wait3A_471] : memref<1024x128xf32, #tpu.memory_space<vmem_shared>> -> memref<8x128xf32, #tpu.memory_space<vmem_shared>>
    %dma_wait3A_473 = arith.constant 0 : i32
    %dma_wait3A_474 = tpu.memref_slice %arg10[%add3A_429, %dma_wait3A_473] : memref<1024x128xf32, #tpu.memory_space<vmem_shared>> -> memref<8x128xf32, #tpu.memory_space<vmem_shared>>
    tpu.wait_dma2 semaphore(%arg11 : memref<!tpu.dma_semaphore, #tpu.memory_space<semaphore_mem>>) src(%arg9 : memref<8x128xf32, #tpu.memory_space<vmem>>) dst(%dma_wait3A_474 : memref<8x128xf32, #tpu.memory_space<vmem_shared>>)
    %dma_wait3A_475 = arith.constant 0 : i32
    %dma_wait3A_476 = tpu.memref_slice %arg10[%add3A_437, %dma_wait3A_475] : memref<1024x128xf32, #tpu.memory_space<vmem_shared>> -> memref<8x128xf32, #tpu.memory_space<vmem_shared>>
    %dma_wait3A_477 = arith.constant 0 : i32
    %dma_wait3A_478 = tpu.memref_slice %arg10[%add3A_437, %dma_wait3A_477] : memref<1024x128xf32, #tpu.memory_space<vmem_shared>> -> memref<8x128xf32, #tpu.memory_space<vmem_shared>>
    tpu.wait_dma2 semaphore(%arg11 : memref<!tpu.dma_semaphore, #tpu.memory_space<semaphore_mem>>) src(%arg9 : memref<8x128xf32, #tpu.memory_space<vmem>>) dst(%dma_wait3A_478 : memref<8x128xf32, #tpu.memory_space<vmem_shared>>)
    %dma_wait3A_479 = arith.constant 0 : i32
    %dma_wait3A_480 = tpu.memref_slice %arg10[%add3A_445, %dma_wait3A_479] : memref<1024x128xf32, #tpu.memory_space<vmem_shared>> -> memref<8x128xf32, #tpu.memory_space<vmem_shared>>
    %dma_wait3A_481 = arith.constant 0 : i32
    %dma_wait3A_482 = tpu.memref_slice %arg10[%add3A_445, %dma_wait3A_481] : memref<1024x128xf32, #tpu.memory_space<vmem_shared>> -> memref<8x128xf32, #tpu.memory_space<vmem_shared>>
    tpu.wait_dma2 semaphore(%arg11 : memref<!tpu.dma_semaphore, #tpu.memory_space<semaphore_mem>>) src(%arg9 : memref<8x128xf32, #tpu.memory_space<vmem>>) dst(%dma_wait3A_482 : memref<8x128xf32, #tpu.memory_space<vmem_shared>>)
    %barrier3A = arith.constant 0 : index
    tpu.barrier barrier_id(%barrier3A)
    %mul3A_483 = arith.constant 512 : i32
    %mul3A_484 = arith.muli %add3A, %mul3A_483 : i32
    %add3A_485 = arith.constant 0 : i32
    %add3A_486 = arith.addi %mul3A_484, %add3A_485 : i32
    %dma_start3A_487 = arith.constant 0 : i32
    %dma_start3A_488 = arith.constant 0 : i32
    %dma_start3A_489 = tpu.memref_slice %arg7[%dma_start3A_487, %dma_start3A_488] : memref<512x128xf32, #tpu.memory_space<vmem>> -> memref<128x128xf32, #tpu.memory_space<vmem>>
    %dma_start3A_490 = arith.constant 0 : i32
    %dma_start3A_491 = tpu.memref_slice %arg2[%add3A_486, %dma_start3A_490] : memref<16384x128xf32, #tpu.memory_space<hbm>> -> memref<128x128xf32, #tpu.memory_space<hbm>>
    %dma_start3A_492 = arith.constant 0 : i32
    %dma_start3A_493 = arith.constant 0 : i32
    %dma_start3A_494 = tpu.memref_slice %arg7[%dma_start3A_492, %dma_start3A_493] : memref<512x128xf32, #tpu.memory_space<vmem>> -> memref<128x128xf32, #tpu.memory_space<vmem>>
    %dma_start3A_495 = arith.constant 0 : i32
    %dma_start3A_496 = tpu.memref_slice %arg2[%add3A_486, %dma_start3A_495] : memref<16384x128xf32, #tpu.memory_space<hbm>> -> memref<128x128xf32, #tpu.memory_space<hbm>>
    tpu.enqueue_dma source(%dma_start3A_496 : memref<128x128xf32, #tpu.memory_space<hbm>>) target(%dma_start3A_494 : memref<128x128xf32, #tpu.memory_space<vmem>>) target_semaphore(%arg11 : memref<!tpu.dma_semaphore, #tpu.memory_space<semaphore_mem>>)
    %mul3A_497 = arith.constant 512 : i32
    %mul3A_498 = arith.muli %add3A, %mul3A_497 : i32
    %add3A_499 = arith.constant 128 : i32
    %add3A_500 = arith.addi %mul3A_498, %add3A_499 : i32
    %dma_start3A_501 = arith.constant 128 : i32
    %dma_start3A_502 = arith.constant 0 : i32
    %dma_start3A_503 = tpu.memref_slice %arg7[%dma_start3A_501, %dma_start3A_502] : memref<512x128xf32, #tpu.memory_space<vmem>> -> memref<128x128xf32, #tpu.memory_space<vmem>>
    %dma_start3A_504 = arith.constant 0 : i32
    %dma_start3A_505 = tpu.memref_slice %arg2[%add3A_500, %dma_start3A_504] : memref<16384x128xf32, #tpu.memory_space<hbm>> -> memref<128x128xf32, #tpu.memory_space<hbm>>
    %dma_start3A_506 = arith.constant 128 : i32
    %dma_start3A_507 = arith.constant 0 : i32
    %dma_start3A_508 = tpu.memref_slice %arg7[%dma_start3A_506, %dma_start3A_507] : memref<512x128xf32, #tpu.memory_space<vmem>> -> memref<128x128xf32, #tpu.memory_space<vmem>>
    %dma_start3A_509 = arith.constant 0 : i32
    %dma_start3A_510 = tpu.memref_slice %arg2[%add3A_500, %dma_start3A_509] : memref<16384x128xf32, #tpu.memory_space<hbm>> -> memref<128x128xf32, #tpu.memory_space<hbm>>
    tpu.enqueue_dma source(%dma_start3A_510 : memref<128x128xf32, #tpu.memory_space<hbm>>) target(%dma_start3A_508 : memref<128x128xf32, #tpu.memory_space<vmem>>) target_semaphore(%arg11 : memref<!tpu.dma_semaphore, #tpu.memory_space<semaphore_mem>>)
    %mul3A_511 = arith.constant 512 : i32
    %mul3A_512 = arith.muli %add3A, %mul3A_511 : i32
    %add3A_513 = arith.constant 256 : i32
    %add3A_514 = arith.addi %mul3A_512, %add3A_513 : i32
    %dma_start3A_515 = arith.constant 256 : i32
    %dma_start3A_516 = arith.constant 0 : i32
    %dma_start3A_517 = tpu.memref_slice %arg7[%dma_start3A_515, %dma_start3A_516] : memref<512x128xf32, #tpu.memory_space<vmem>> -> memref<128x128xf32, #tpu.memory_space<vmem>>
    %dma_start3A_518 = arith.constant 0 : i32
    %dma_start3A_519 = tpu.memref_slice %arg2[%add3A_514, %dma_start3A_518] : memref<16384x128xf32, #tpu.memory_space<hbm>> -> memref<128x128xf32, #tpu.memory_space<hbm>>
    %dma_start3A_520 = arith.constant 256 : i32
    %dma_start3A_521 = arith.constant 0 : i32
    %dma_start3A_522 = tpu.memref_slice %arg7[%dma_start3A_520, %dma_start3A_521] : memref<512x128xf32, #tpu.memory_space<vmem>> -> memref<128x128xf32, #tpu.memory_space<vmem>>
    %dma_start3A_523 = arith.constant 0 : i32
    %dma_start3A_524 = tpu.memref_slice %arg2[%add3A_514, %dma_start3A_523] : memref<16384x128xf32, #tpu.memory_space<hbm>> -> memref<128x128xf32, #tpu.memory_space<hbm>>
    tpu.enqueue_dma source(%dma_start3A_524 : memref<128x128xf32, #tpu.memory_space<hbm>>) target(%dma_start3A_522 : memref<128x128xf32, #tpu.memory_space<vmem>>) target_semaphore(%arg11 : memref<!tpu.dma_semaphore, #tpu.memory_space<semaphore_mem>>)
    %mul3A_525 = arith.constant 512 : i32
    %mul3A_526 = arith.muli %add3A, %mul3A_525 : i32
    %add3A_527 = arith.constant 384 : i32
    %add3A_528 = arith.addi %mul3A_526, %add3A_527 : i32
    %dma_start3A_529 = arith.constant 384 : i32
    %dma_start3A_530 = arith.constant 0 : i32
    %dma_start3A_531 = tpu.memref_slice %arg7[%dma_start3A_529, %dma_start3A_530] : memref<512x128xf32, #tpu.memory_space<vmem>> -> memref<128x128xf32, #tpu.memory_space<vmem>>
    %dma_start3A_532 = arith.constant 0 : i32
    %dma_start3A_533 = tpu.memref_slice %arg2[%add3A_528, %dma_start3A_532] : memref<16384x128xf32, #tpu.memory_space<hbm>> -> memref<128x128xf32, #tpu.memory_space<hbm>>
    %dma_start3A_534 = arith.constant 384 : i32
    %dma_start3A_535 = arith.constant 0 : i32
    %dma_start3A_536 = tpu.memref_slice %arg7[%dma_start3A_534, %dma_start3A_535] : memref<512x128xf32, #tpu.memory_space<vmem>> -> memref<128x128xf32, #tpu.memory_space<vmem>>
    %dma_start3A_537 = arith.constant 0 : i32
    %dma_start3A_538 = tpu.memref_slice %arg2[%add3A_528, %dma_start3A_537] : memref<16384x128xf32, #tpu.memory_space<hbm>> -> memref<128x128xf32, #tpu.memory_space<hbm>>
    tpu.enqueue_dma source(%dma_start3A_538 : memref<128x128xf32, #tpu.memory_space<hbm>>) target(%dma_start3A_536 : memref<128x128xf32, #tpu.memory_space<vmem>>) target_semaphore(%arg11 : memref<!tpu.dma_semaphore, #tpu.memory_space<semaphore_mem>>)
    %get3A = arith.constant 0 : i32
    %get3A_539 = arith.index_cast %get3A : i32 to index
    %get3A_540 = arith.constant 0 : index
    %get3A_541 = tpu.vector_load %arg6[%get3A_539, %get3A_540] {strides = array<i32>} : memref<4x128xi32, #tpu.memory_space<vmem>>, vector<16xi32>,
    tpu.vector_store_idx %arg8[%get3A_541], %broadcast_in_dim3A_3 {add = true} : memref<1024xf32, #tpu.memory_space<vmem>>[vector<16xi32>], vector<16xf32>,
    %get3A_542 = arith.constant 0 : i32
    %get3A_543 = arith.index_cast %get3A_542 : i32 to index
    %get3A_544 = arith.constant 16 : index
    %get3A_545 = tpu.vector_load %arg6[%get3A_543, %get3A_544] {strides = array<i32>} : memref<4x128xi32, #tpu.memory_space<vmem>>, vector<16xi32>,
    tpu.vector_store_idx %arg8[%get3A_545], %broadcast_in_dim3A_3 {add = true} : memref<1024xf32, #tpu.memory_space<vmem>>[vector<16xi32>], vector<16xf32>,
    %get3A_546 = arith.constant 0 : i32
    %get3A_547 = arith.index_cast %get3A_546 : i32 to index
    %get3A_548 = arith.constant 32 : index
    %get3A_549 = tpu.vector_load %arg6[%get3A_547, %get3A_548] {strides = array<i32>} : memref<4x128xi32, #tpu.memory_space<vmem>>, vector<16xi32>,
    tpu.vector_store_idx %arg8[%get3A_549], %broadcast_in_dim3A_3 {add = true} : memref<1024xf32, #tpu.memory_space<vmem>>[vector<16xi32>], vector<16xf32>,
    %get3A_550 = arith.constant 0 : i32
    %get3A_551 = arith.index_cast %get3A_550 : i32 to index
    %get3A_552 = arith.constant 48 : index
    %get3A_553 = tpu.vector_load %arg6[%get3A_551, %get3A_552] {strides = array<i32>} : memref<4x128xi32, #tpu.memory_space<vmem>>, vector<16xi32>,
    tpu.vector_store_idx %arg8[%get3A_553], %broadcast_in_dim3A_3 {add = true} : memref<1024xf32, #tpu.memory_space<vmem>>[vector<16xi32>], vector<16xf32>,
    %get3A_554 = arith.constant 0 : i32
    %get3A_555 = arith.index_cast %get3A_554 : i32 to index
    %get3A_556 = arith.constant 64 : index
    %get3A_557 = tpu.vector_load %arg6[%get3A_555, %get3A_556] {strides = array<i32>} : memref<4x128xi32, #tpu.memory_space<vmem>>, vector<16xi32>,
    tpu.vector_store_idx %arg8[%get3A_557], %broadcast_in_dim3A_3 {add = true} : memref<1024xf32, #tpu.memory_space<vmem>>[vector<16xi32>], vector<16xf32>,
    %get3A_558 = arith.constant 0 : i32
    %get3A_559 = arith.index_cast %get3A_558 : i32 to index
    %get3A_560 = arith.constant 80 : index
    %get3A_561 = tpu.vector_load %arg6[%get3A_559, %get3A_560] {strides = array<i32>} : memref<4x128xi32, #tpu.memory_space<vmem>>, vector<16xi32>,
    tpu.vector_store_idx %arg8[%get3A_561], %broadcast_in_dim3A_3 {add = true} : memref<1024xf32, #tpu.memory_space<vmem>>[vector<16xi32>], vector<16xf32>,
    %get3A_562 = arith.constant 0 : i32
    %get3A_563 = arith.index_cast %get3A_562 : i32 to index
    %get3A_564 = arith.constant 96 : index
    %get3A_565 = tpu.vector_load %arg6[%get3A_563, %get3A_564] {strides = array<i32>} : memref<4x128xi32, #tpu.memory_space<vmem>>, vector<16xi32>,
    tpu.vector_store_idx %arg8[%get3A_565], %broadcast_in_dim3A_3 {add = true} : memref<1024xf32, #tpu.memory_space<vmem>>[vector<16xi32>], vector<16xf32>,
    %get3A_566 = arith.constant 0 : i32
    %get3A_567 = arith.index_cast %get3A_566 : i32 to index
    %get3A_568 = arith.constant 112 : index
    %get3A_569 = tpu.vector_load %arg6[%get3A_567, %get3A_568] {strides = array<i32>} : memref<4x128xi32, #tpu.memory_space<vmem>>, vector<16xi32>,
    tpu.vector_store_idx %arg8[%get3A_569], %broadcast_in_dim3A_3 {add = true} : memref<1024xf32, #tpu.memory_space<vmem>>[vector<16xi32>], vector<16xf32>,
    %get3A_570 = arith.constant 1 : i32
    %get3A_571 = arith.index_cast %get3A_570 : i32 to index
    %get3A_572 = arith.constant 0 : index
    %get3A_573 = tpu.vector_load %arg6[%get3A_571, %get3A_572] {strides = array<i32>} : memref<4x128xi32, #tpu.memory_space<vmem>>, vector<16xi32>,
    tpu.vector_store_idx %arg8[%get3A_573], %broadcast_in_dim3A_3 {add = true} : memref<1024xf32, #tpu.memory_space<vmem>>[vector<16xi32>], vector<16xf32>,
    %get3A_574 = arith.constant 1 : i32
    %get3A_575 = arith.index_cast %get3A_574 : i32 to index
    %get3A_576 = arith.constant 16 : index
    %get3A_577 = tpu.vector_load %arg6[%get3A_575, %get3A_576] {strides = array<i32>} : memref<4x128xi32, #tpu.memory_space<vmem>>, vector<16xi32>,
    tpu.vector_store_idx %arg8[%get3A_577], %broadcast_in_dim3A_3 {add = true} : memref<1024xf32, #tpu.memory_space<vmem>>[vector<16xi32>], vector<16xf32>,
    %get3A_578 = arith.constant 1 : i32
    %get3A_579 = arith.index_cast %get3A_578 : i32 to index
    %get3A_580 = arith.constant 32 : index
    %get3A_581 = tpu.vector_load %arg6[%get3A_579, %get3A_580] {strides = array<i32>} : memref<4x128xi32, #tpu.memory_space<vmem>>, vector<16xi32>,
    tpu.vector_store_idx %arg8[%get3A_581], %broadcast_in_dim3A_3 {add = true} : memref<1024xf32, #tpu.memory_space<vmem>>[vector<16xi32>], vector<16xf32>,
    %get3A_582 = arith.constant 1 : i32
    %get3A_583 = arith.index_cast %get3A_582 : i32 to index
    %get3A_584 = arith.constant 48 : index
    %get3A_585 = tpu.vector_load %arg6[%get3A_583, %get3A_584] {strides = array<i32>} : memref<4x128xi32, #tpu.memory_space<vmem>>, vector<16xi32>,
    tpu.vector_store_idx %arg8[%get3A_585], %broadcast_in_dim3A_3 {add = true} : memref<1024xf32, #tpu.memory_space<vmem>>[vector<16xi32>], vector<16xf32>,
    %get3A_586 = arith.constant 1 : i32
    %get3A_587 = arith.index_cast %get3A_586 : i32 to index
    %get3A_588 = arith.constant 64 : index
    %get3A_589 = tpu.vector_load %arg6[%get3A_587, %get3A_588] {strides = array<i32>} : memref<4x128xi32, #tpu.memory_space<vmem>>, vector<16xi32>,
    tpu.vector_store_idx %arg8[%get3A_589], %broadcast_in_dim3A_3 {add = true} : memref<1024xf32, #tpu.memory_space<vmem>>[vector<16xi32>], vector<16xf32>,
    %get3A_590 = arith.constant 1 : i32
    %get3A_591 = arith.index_cast %get3A_590 : i32 to index
    %get3A_592 = arith.constant 80 : index
    %get3A_593 = tpu.vector_load %arg6[%get3A_591, %get3A_592] {strides = array<i32>} : memref<4x128xi32, #tpu.memory_space<vmem>>, vector<16xi32>,
    tpu.vector_store_idx %arg8[%get3A_593], %broadcast_in_dim3A_3 {add = true} : memref<1024xf32, #tpu.memory_space<vmem>>[vector<16xi32>], vector<16xf32>,
    %get3A_594 = arith.constant 1 : i32
    %get3A_595 = arith.index_cast %get3A_594 : i32 to index
    %get3A_596 = arith.constant 96 : index
    %get3A_597 = tpu.vector_load %arg6[%get3A_595, %get3A_596] {strides = array<i32>} : memref<4x128xi32, #tpu.memory_space<vmem>>, vector<16xi32>,
    tpu.vector_store_idx %arg8[%get3A_597], %broadcast_in_dim3A_3 {add = true} : memref<1024xf32, #tpu.memory_space<vmem>>[vector<16xi32>], vector<16xf32>,
    %get3A_598 = arith.constant 1 : i32
    %get3A_599 = arith.index_cast %get3A_598 : i32 to index
    %get3A_600 = arith.constant 112 : index
    %get3A_601 = tpu.vector_load %arg6[%get3A_599, %get3A_600] {strides = array<i32>} : memref<4x128xi32, #tpu.memory_space<vmem>>, vector<16xi32>,
    tpu.vector_store_idx %arg8[%get3A_601], %broadcast_in_dim3A_3 {add = true} : memref<1024xf32, #tpu.memory_space<vmem>>[vector<16xi32>], vector<16xf32>,
    %get3A_602 = arith.constant 2 : i32
    %get3A_603 = arith.index_cast %get3A_602 : i32 to index
    %get3A_604 = arith.constant 0 : index
    %get3A_605 = tpu.vector_load %arg6[%get3A_603, %get3A_604] {strides = array<i32>} : memref<4x128xi32, #tpu.memory_space<vmem>>, vector<16xi32>,
    tpu.vector_store_idx %arg8[%get3A_605], %broadcast_in_dim3A_3 {add = true} : memref<1024xf32, #tpu.memory_space<vmem>>[vector<16xi32>], vector<16xf32>,
    %get3A_606 = arith.constant 2 : i32
    %get3A_607 = arith.index_cast %get3A_606 : i32 to index
    %get3A_608 = arith.constant 16 : index
    %get3A_609 = tpu.vector_load %arg6[%get3A_607, %get3A_608] {strides = array<i32>} : memref<4x128xi32, #tpu.memory_space<vmem>>, vector<16xi32>,
    tpu.vector_store_idx %arg8[%get3A_609], %broadcast_in_dim3A_3 {add = true} : memref<1024xf32, #tpu.memory_space<vmem>>[vector<16xi32>], vector<16xf32>,
    %get3A_610 = arith.constant 2 : i32
    %get3A_611 = arith.index_cast %get3A_610 : i32 to index
    %get3A_612 = arith.constant 32 : index
    %get3A_613 = tpu.vector_load %arg6[%get3A_611, %get3A_612] {strides = array<i32>} : memref<4x128xi32, #tpu.memory_space<vmem>>, vector<16xi32>,
    tpu.vector_store_idx %arg8[%get3A_613], %broadcast_in_dim3A_3 {add = true} : memref<1024xf32, #tpu.memory_space<vmem>>[vector<16xi32>], vector<16xf32>,
    %get3A_614 = arith.constant 2 : i32
    %get3A_615 = arith.index_cast %get3A_614 : i32 to index
    %get3A_616 = arith.constant 48 : index
    %get3A_617 = tpu.vector_load %arg6[%get3A_615, %get3A_616] {strides = array<i32>} : memref<4x128xi32, #tpu.memory_space<vmem>>, vector<16xi32>,
    tpu.vector_store_idx %arg8[%get3A_617], %broadcast_in_dim3A_3 {add = true} : memref<1024xf32, #tpu.memory_space<vmem>>[vector<16xi32>], vector<16xf32>,
    %get3A_618 = arith.constant 2 : i32
    %get3A_619 = arith.index_cast %get3A_618 : i32 to index
    %get3A_620 = arith.constant 64 : index
    %get3A_621 = tpu.vector_load %arg6[%get3A_619, %get3A_620] {strides = array<i32>} : memref<4x128xi32, #tpu.memory_space<vmem>>, vector<16xi32>,
    tpu.vector_store_idx %arg8[%get3A_621], %broadcast_in_dim3A_3 {add = true} : memref<1024xf32, #tpu.memory_space<vmem>>[vector<16xi32>], vector<16xf32>,
    %get3A_622 = arith.constant 2 : i32
    %get3A_623 = arith.index_cast %get3A_622 : i32 to index
    %get3A_624 = arith.constant 80 : index
    %get3A_625 = tpu.vector_load %arg6[%get3A_623, %get3A_624] {strides = array<i32>} : memref<4x128xi32, #tpu.memory_space<vmem>>, vector<16xi32>,
    tpu.vector_store_idx %arg8[%get3A_625], %broadcast_in_dim3A_3 {add = true} : memref<1024xf32, #tpu.memory_space<vmem>>[vector<16xi32>], vector<16xf32>,
    %get3A_626 = arith.constant 2 : i32
    %get3A_627 = arith.index_cast %get3A_626 : i32 to index
    %get3A_628 = arith.constant 96 : index
    %get3A_629 = tpu.vector_load %arg6[%get3A_627, %get3A_628] {strides = array<i32>} : memref<4x128xi32, #tpu.memory_space<vmem>>, vector<16xi32>,
    tpu.vector_store_idx %arg8[%get3A_629], %broadcast_in_dim3A_3 {add = true} : memref<1024xf32, #tpu.memory_space<vmem>>[vector<16xi32>], vector<16xf32>,
    %get3A_630 = arith.constant 2 : i32
    %get3A_631 = arith.index_cast %get3A_630 : i32 to index
    %get3A_632 = arith.constant 112 : index
    %get3A_633 = tpu.vector_load %arg6[%get3A_631, %get3A_632] {strides = array<i32>} : memref<4x128xi32, #tpu.memory_space<vmem>>, vector<16xi32>,
    tpu.vector_store_idx %arg8[%get3A_633], %broadcast_in_dim3A_3 {add = true} : memref<1024xf32, #tpu.memory_space<vmem>>[vector<16xi32>], vector<16xf32>,
    %get3A_634 = arith.constant 3 : i32
    %get3A_635 = arith.index_cast %get3A_634 : i32 to index
    %get3A_636 = arith.constant 0 : index
    %get3A_637 = tpu.vector_load %arg6[%get3A_635, %get3A_636] {strides = array<i32>} : memref<4x128xi32, #tpu.memory_space<vmem>>, vector<16xi32>,
    tpu.vector_store_idx %arg8[%get3A_637], %broadcast_in_dim3A_3 {add = true} : memref<1024xf32, #tpu.memory_space<vmem>>[vector<16xi32>], vector<16xf32>,
    %get3A_638 = arith.constant 3 : i32
    %get3A_639 = arith.index_cast %get3A_638 : i32 to index
    %get3A_640 = arith.constant 16 : index
    %get3A_641 = tpu.vector_load %arg6[%get3A_639, %get3A_640] {strides = array<i32>} : memref<4x128xi32, #tpu.memory_space<vmem>>, vector<16xi32>,
    tpu.vector_store_idx %arg8[%get3A_641], %broadcast_in_dim3A_3 {add = true} : memref<1024xf32, #tpu.memory_space<vmem>>[vector<16xi32>], vector<16xf32>,
    %get3A_642 = arith.constant 3 : i32
    %get3A_643 = arith.index_cast %get3A_642 : i32 to index
    %get3A_644 = arith.constant 32 : index
    %get3A_645 = tpu.vector_load %arg6[%get3A_643, %get3A_644] {strides = array<i32>} : memref<4x128xi32, #tpu.memory_space<vmem>>, vector<16xi32>,
    tpu.vector_store_idx %arg8[%get3A_645], %broadcast_in_dim3A_3 {add = true} : memref<1024xf32, #tpu.memory_space<vmem>>[vector<16xi32>], vector<16xf32>,
    %get3A_646 = arith.constant 3 : i32
    %get3A_647 = arith.index_cast %get3A_646 : i32 to index
    %get3A_648 = arith.constant 48 : index
    %get3A_649 = tpu.vector_load %arg6[%get3A_647, %get3A_648] {strides = array<i32>} : memref<4x128xi32, #tpu.memory_space<vmem>>, vector<16xi32>,
    tpu.vector_store_idx %arg8[%get3A_649], %broadcast_in_dim3A_3 {add = true} : memref<1024xf32, #tpu.memory_space<vmem>>[vector<16xi32>], vector<16xf32>,
    %get3A_650 = arith.constant 3 : i32
    %get3A_651 = arith.index_cast %get3A_650 : i32 to index
    %get3A_652 = arith.constant 64 : index
    %get3A_653 = tpu.vector_load %arg6[%get3A_651, %get3A_652] {strides = array<i32>} : memref<4x128xi32, #tpu.memory_space<vmem>>, vector<16xi32>,
    tpu.vector_store_idx %arg8[%get3A_653], %broadcast_in_dim3A_3 {add = true} : memref<1024xf32, #tpu.memory_space<vmem>>[vector<16xi32>], vector<16xf32>,
    %get3A_654 = arith.constant 3 : i32
    %get3A_655 = arith.index_cast %get3A_654 : i32 to index
    %get3A_656 = arith.constant 80 : index
    %get3A_657 = tpu.vector_load %arg6[%get3A_655, %get3A_656] {strides = array<i32>} : memref<4x128xi32, #tpu.memory_space<vmem>>, vector<16xi32>,
    tpu.vector_store_idx %arg8[%get3A_657], %broadcast_in_dim3A_3 {add = true} : memref<1024xf32, #tpu.memory_space<vmem>>[vector<16xi32>], vector<16xf32>,
    %get3A_658 = arith.constant 3 : i32
    %get3A_659 = arith.index_cast %get3A_658 : i32 to index
    %get3A_660 = arith.constant 96 : index
    %get3A_661 = tpu.vector_load %arg6[%get3A_659, %get3A_660] {strides = array<i32>} : memref<4x128xi32, #tpu.memory_space<vmem>>, vector<16xi32>,
    tpu.vector_store_idx %arg8[%get3A_661], %broadcast_in_dim3A_3 {add = true} : memref<1024xf32, #tpu.memory_space<vmem>>[vector<16xi32>], vector<16xf32>,
    %get3A_662 = arith.constant 3 : i32
    %get3A_663 = arith.index_cast %get3A_662 : i32 to index
    %get3A_664 = arith.constant 112 : index
    %get3A_665 = tpu.vector_load %arg6[%get3A_663, %get3A_664] {strides = array<i32>} : memref<4x128xi32, #tpu.memory_space<vmem>>, vector<16xi32>,
    tpu.vector_store_idx %arg8[%get3A_665], %broadcast_in_dim3A_3 {add = true} : memref<1024xf32, #tpu.memory_space<vmem>>[vector<16xi32>], vector<16xf32>,
    %dma_wait3A_666 = arith.constant 0 : i32
    %dma_wait3A_667 = arith.constant 0 : i32
    %dma_wait3A_668 = tpu.memref_slice %arg7[%dma_wait3A_666, %dma_wait3A_667] : memref<512x128xf32, #tpu.memory_space<vmem>> -> memref<128x128xf32, #tpu.memory_space<vmem>>
    %dma_wait3A_669 = arith.constant 0 : i32
    %dma_wait3A_670 = tpu.memref_slice %arg2[%add3A_486, %dma_wait3A_669] : memref<16384x128xf32, #tpu.memory_space<hbm>> -> memref<128x128xf32, #tpu.memory_space<hbm>>
    %dma_wait3A_671 = arith.constant 0 : i32
    %dma_wait3A_672 = arith.constant 0 : i32
    %dma_wait3A_673 = tpu.memref_slice %arg7[%dma_wait3A_671, %dma_wait3A_672] : memref<512x128xf32, #tpu.memory_space<vmem>> -> memref<128x128xf32, #tpu.memory_space<vmem>>
    %dma_wait3A_674 = arith.constant 0 : i32
    %dma_wait3A_675 = tpu.memref_slice %arg2[%add3A_486, %dma_wait3A_674] : memref<16384x128xf32, #tpu.memory_space<hbm>> -> memref<128x128xf32, #tpu.memory_space<hbm>>
    tpu.wait_dma2 semaphore(%arg11 : memref<!tpu.dma_semaphore, #tpu.memory_space<semaphore_mem>>) src(%dma_wait3A_675 : memref<128x128xf32, #tpu.memory_space<hbm>>) dst(%dma_wait3A_673 : memref<128x128xf32, #tpu.memory_space<vmem>>)
    %dma_start3A_676 = arith.constant 0 : i32
    %dma_start3A_677 = arith.constant 0 : i32
    %dma_start3A_678 = arith.constant 0 : i32
    %dma_start3A_679 = tpu.memref_slice %arg7[%dma_start3A_677, %dma_start3A_678] : memref<512x128xf32, #tpu.memory_space<vmem>> -> memref<128x128xf32, #tpu.memory_space<vmem>>
    %dma_start3A_680 = arith.constant 0 : i32
    %dma_start3A_681 = tpu.memref_slice %arg6[%dma_start3A_676, %dma_start3A_680] : memref<4x128xi32, #tpu.memory_space<vmem>> -> memref<1x128xi32, #tpu.memory_space<vmem>>
    %dma_start3A_682 = tpu.memref_squeeze %dma_start3A_681 : memref<1x128xi32, #tpu.memory_space<vmem>> -> memref<128xi32, #tpu.memory_space<vmem>>
    %dma_start3A_683 = arith.constant 0 : i32
    %dma_start3A_684 = arith.constant 0 : i32
    %dma_start3A_685 = tpu.memref_slice %arg10[%dma_start3A_683, %dma_start3A_684] : memref<1024x128xf32, #tpu.memory_space<vmem_shared>> -> memref<1024x128xf32, #tpu.memory_space<vmem_shared>>
    tpu.enqueue_indirect_dma source(%dma_start3A_679 : memref<128x128xf32, #tpu.memory_space<vmem>>) target(%dma_start3A_685 : memref<1024x128xf32, #tpu.memory_space<vmem_shared>>) offsets(%dma_start3A_682 : memref<128xi32, #tpu.memory_space<vmem>>) semaphore(%arg12 : memref<!tpu.dma_semaphore, #tpu.memory_space<semaphore_mem>>) {add = true}
    %dma_wait3A_686 = arith.constant 128 : i32
    %dma_wait3A_687 = arith.constant 0 : i32
    %dma_wait3A_688 = tpu.memref_slice %arg7[%dma_wait3A_686, %dma_wait3A_687] : memref<512x128xf32, #tpu.memory_space<vmem>> -> memref<128x128xf32, #tpu.memory_space<vmem>>
    %dma_wait3A_689 = arith.constant 0 : i32
    %dma_wait3A_690 = tpu.memref_slice %arg2[%add3A_500, %dma_wait3A_689] : memref<16384x128xf32, #tpu.memory_space<hbm>> -> memref<128x128xf32, #tpu.memory_space<hbm>>
    %dma_wait3A_691 = arith.constant 128 : i32
    %dma_wait3A_692 = arith.constant 0 : i32
    %dma_wait3A_693 = tpu.memref_slice %arg7[%dma_wait3A_691, %dma_wait3A_692] : memref<512x128xf32, #tpu.memory_space<vmem>> -> memref<128x128xf32, #tpu.memory_space<vmem>>
    %dma_wait3A_694 = arith.constant 0 : i32
    %dma_wait3A_695 = tpu.memref_slice %arg2[%add3A_500, %dma_wait3A_694] : memref<16384x128xf32, #tpu.memory_space<hbm>> -> memref<128x128xf32, #tpu.memory_space<hbm>>
    tpu.wait_dma2 semaphore(%arg11 : memref<!tpu.dma_semaphore, #tpu.memory_space<semaphore_mem>>) src(%dma_wait3A_695 : memref<128x128xf32, #tpu.memory_space<hbm>>) dst(%dma_wait3A_693 : memref<128x128xf32, #tpu.memory_space<vmem>>)
    %dma_start3A_696 = arith.constant 1 : i32
    %dma_start3A_697 = arith.constant 128 : i32
    %dma_start3A_698 = arith.constant 0 : i32
    %dma_start3A_699 = tpu.memref_slice %arg7[%dma_start3A_697, %dma_start3A_698] : memref<512x128xf32, #tpu.memory_space<vmem>> -> memref<128x128xf32, #tpu.memory_space<vmem>>
    %dma_start3A_700 = arith.constant 0 : i32
    %dma_start3A_701 = tpu.memref_slice %arg6[%dma_start3A_696, %dma_start3A_700] : memref<4x128xi32, #tpu.memory_space<vmem>> -> memref<1x128xi32, #tpu.memory_space<vmem>>
    %dma_start3A_702 = tpu.memref_squeeze %dma_start3A_701 : memref<1x128xi32, #tpu.memory_space<vmem>> -> memref<128xi32, #tpu.memory_space<vmem>>
    %dma_start3A_703 = arith.constant 0 : i32
    %dma_start3A_704 = arith.constant 0 : i32
    %dma_start3A_705 = tpu.memref_slice %arg10[%dma_start3A_703, %dma_start3A_704] : memref<1024x128xf32, #tpu.memory_space<vmem_shared>> -> memref<1024x128xf32, #tpu.memory_space<vmem_shared>>
    tpu.enqueue_indirect_dma source(%dma_start3A_699 : memref<128x128xf32, #tpu.memory_space<vmem>>) target(%dma_start3A_705 : memref<1024x128xf32, #tpu.memory_space<vmem_shared>>) offsets(%dma_start3A_702 : memref<128xi32, #tpu.memory_space<vmem>>) semaphore(%arg12 : memref<!tpu.dma_semaphore, #tpu.memory_space<semaphore_mem>>) {add = true}
    %dma_wait3A_706 = arith.constant 256 : i32
    %dma_wait3A_707 = arith.constant 0 : i32
    %dma_wait3A_708 = tpu.memref_slice %arg7[%dma_wait3A_706, %dma_wait3A_707] : memref<512x128xf32, #tpu.memory_space<vmem>> -> memref<128x128xf32, #tpu.memory_space<vmem>>
    %dma_wait3A_709 = arith.constant 0 : i32
    %dma_wait3A_710 = tpu.memref_slice %arg2[%add3A_514, %dma_wait3A_709] : memref<16384x128xf32, #tpu.memory_space<hbm>> -> memref<128x128xf32, #tpu.memory_space<hbm>>
    %dma_wait3A_711 = arith.constant 256 : i32
    %dma_wait3A_712 = arith.constant 0 : i32
    %dma_wait3A_713 = tpu.memref_slice %arg7[%dma_wait3A_711, %dma_wait3A_712] : memref<512x128xf32, #tpu.memory_space<vmem>> -> memref<128x128xf32, #tpu.memory_space<vmem>>
    %dma_wait3A_714 = arith.constant 0 : i32
    %dma_wait3A_715 = tpu.memref_slice %arg2[%add3A_514, %dma_wait3A_714] : memref<16384x128xf32, #tpu.memory_space<hbm>> -> memref<128x128xf32, #tpu.memory_space<hbm>>
    tpu.wait_dma2 semaphore(%arg11 : memref<!tpu.dma_semaphore, #tpu.memory_space<semaphore_mem>>) src(%dma_wait3A_715 : memref<128x128xf32, #tpu.memory_space<hbm>>) dst(%dma_wait3A_713 : memref<128x128xf32, #tpu.memory_space<vmem>>)
    %dma_start3A_716 = arith.constant 2 : i32
    %dma_start3A_717 = arith.constant 256 : i32
    %dma_start3A_718 = arith.constant 0 : i32
    %dma_start3A_719 = tpu.memref_slice %arg7[%dma_start3A_717, %dma_start3A_718] : memref<512x128xf32, #tpu.memory_space<vmem>> -> memref<128x128xf32, #tpu.memory_space<vmem>>
    %dma_start3A_720 = arith.constant 0 : i32
    %dma_start3A_721 = tpu.memref_slice %arg6[%dma_start3A_716, %dma_start3A_720] : memref<4x128xi32, #tpu.memory_space<vmem>> -> memref<1x128xi32, #tpu.memory_space<vmem>>
    %dma_start3A_722 = tpu.memref_squeeze %dma_start3A_721 : memref<1x128xi32, #tpu.memory_space<vmem>> -> memref<128xi32, #tpu.memory_space<vmem>>
    %dma_start3A_723 = arith.constant 0 : i32
    %dma_start3A_724 = arith.constant 0 : i32
    %dma_start3A_725 = tpu.memref_slice %arg10[%dma_start3A_723, %dma_start3A_724] : memref<1024x128xf32, #tpu.memory_space<vmem_shared>> -> memref<1024x128xf32, #tpu.memory_space<vmem_shared>>
    tpu.enqueue_indirect_dma source(%dma_start3A_719 : memref<128x128xf32, #tpu.memory_space<vmem>>) target(%dma_start3A_725 : memref<1024x128xf32, #tpu.memory_space<vmem_shared>>) offsets(%dma_start3A_722 : memref<128xi32, #tpu.memory_space<vmem>>) semaphore(%arg12 : memref<!tpu.dma_semaphore, #tpu.memory_space<semaphore_mem>>) {add = true}
    %dma_wait3A_726 = arith.constant 384 : i32
    %dma_wait3A_727 = arith.constant 0 : i32
    %dma_wait3A_728 = tpu.memref_slice %arg7[%dma_wait3A_726, %dma_wait3A_727] : memref<512x128xf32, #tpu.memory_space<vmem>> -> memref<128x128xf32, #tpu.memory_space<vmem>>
    %dma_wait3A_729 = arith.constant 0 : i32
    %dma_wait3A_730 = tpu.memref_slice %arg2[%add3A_528, %dma_wait3A_729] : memref<16384x128xf32, #tpu.memory_space<hbm>> -> memref<128x128xf32, #tpu.memory_space<hbm>>
    %dma_wait3A_731 = arith.constant 384 : i32
    %dma_wait3A_732 = arith.constant 0 : i32
    %dma_wait3A_733 = tpu.memref_slice %arg7[%dma_wait3A_731, %dma_wait3A_732] : memref<512x128xf32, #tpu.memory_space<vmem>> -> memref<128x128xf32, #tpu.memory_space<vmem>>
    %dma_wait3A_734 = arith.constant 0 : i32
    %dma_wait3A_735 = tpu.memref_slice %arg2[%add3A_528, %dma_wait3A_734] : memref<16384x128xf32, #tpu.memory_space<hbm>> -> memref<128x128xf32, #tpu.memory_space<hbm>>
    tpu.wait_dma2 semaphore(%arg11 : memref<!tpu.dma_semaphore, #tpu.memory_space<semaphore_mem>>) src(%dma_wait3A_735 : memref<128x128xf32, #tpu.memory_space<hbm>>) dst(%dma_wait3A_733 : memref<128x128xf32, #tpu.memory_space<vmem>>)
    %dma_start3A_736 = arith.constant 3 : i32
    %dma_start3A_737 = arith.constant 384 : i32
    %dma_start3A_738 = arith.constant 0 : i32
    %dma_start3A_739 = tpu.memref_slice %arg7[%dma_start3A_737, %dma_start3A_738] : memref<512x128xf32, #tpu.memory_space<vmem>> -> memref<128x128xf32, #tpu.memory_space<vmem>>
    %dma_start3A_740 = arith.constant 0 : i32
    %dma_start3A_741 = tpu.memref_slice %arg6[%dma_start3A_736, %dma_start3A_740] : memref<4x128xi32, #tpu.memory_space<vmem>> -> memref<1x128xi32, #tpu.memory_space<vmem>>
    %dma_start3A_742 = tpu.memref_squeeze %dma_start3A_741 : memref<1x128xi32, #tpu.memory_space<vmem>> -> memref<128xi32, #tpu.memory_space<vmem>>
    %dma_start3A_743 = arith.constant 0 : i32
    %dma_start3A_744 = arith.constant 0 : i32
    %dma_start3A_745 = tpu.memref_slice %arg10[%dma_start3A_743, %dma_start3A_744] : memref<1024x128xf32, #tpu.memory_space<vmem_shared>> -> memref<1024x128xf32, #tpu.memory_space<vmem_shared>>
    tpu.enqueue_indirect_dma source(%dma_start3A_739 : memref<128x128xf32, #tpu.memory_space<vmem>>) target(%dma_start3A_745 : memref<1024x128xf32, #tpu.memory_space<vmem_shared>>) offsets(%dma_start3A_742 : memref<128xi32, #tpu.memory_space<vmem>>) semaphore(%arg12 : memref<!tpu.dma_semaphore, #tpu.memory_space<semaphore_mem>>) {add = true}
    %dma_start3A_746 = arith.constant 0 : i32
    %dma_start3A_747 = tpu.memref_slice %arg5[%arg0, %arg1, %dma_start3A_746] : memref<2x16x1024xf32, #tpu.memory_space<hbm>> -> memref<1x1x1024xf32, #tpu.memory_space<hbm>>
    %dma_start3A_748 = tpu.memref_squeeze %dma_start3A_747 : memref<1x1x1024xf32, #tpu.memory_space<hbm>> -> memref<1024xf32, #tpu.memory_space<hbm>>
    %dma_start3A_749 = arith.constant 0 : i32
    %dma_start3A_750 = tpu.memref_slice %arg5[%arg0, %arg1, %dma_start3A_749] : memref<2x16x1024xf32, #tpu.memory_space<hbm>> -> memref<1x1x1024xf32, #tpu.memory_space<hbm>>
    %dma_start3A_751 = tpu.memref_squeeze %dma_start3A_750 : memref<1x1x1024xf32, #tpu.memory_space<hbm>> -> memref<1024xf32, #tpu.memory_space<hbm>>
    tpu.enqueue_dma source(%arg8 : memref<1024xf32, #tpu.memory_space<vmem>>) target(%dma_start3A_751 : memref<1024xf32, #tpu.memory_space<hbm>>) target_semaphore(%arg11 : memref<!tpu.dma_semaphore, #tpu.memory_space<semaphore_mem>>)
    %dma_wait3A_752 = arith.constant 0 : i32
    %dma_wait3A_753 = arith.constant 0 : i32
    %dma_wait3A_754 = arith.constant 0 : i32
    %dma_wait3A_755 = tpu.memref_slice %arg7[%dma_wait3A_753, %dma_wait3A_754] : memref<512x128xf32, #tpu.memory_space<vmem>> -> memref<128x128xf32, #tpu.memory_space<vmem>>
    %dma_wait3A_756 = arith.constant 0 : i32
    %dma_wait3A_757 = tpu.memref_slice %arg6[%dma_wait3A_752, %dma_wait3A_756] : memref<4x128xi32, #tpu.memory_space<vmem>> -> memref<1x128xi32, #tpu.memory_space<vmem>>
    %dma_wait3A_758 = tpu.memref_squeeze %dma_wait3A_757 : memref<1x128xi32, #tpu.memory_space<vmem>> -> memref<128xi32, #tpu.memory_space<vmem>>
    %dma_wait3A_759 = arith.constant 0 : i32
    %dma_wait3A_760 = arith.constant 0 : i32
    %dma_wait3A_761 = tpu.memref_slice %arg10[%dma_wait3A_759, %dma_wait3A_760] : memref<1024x128xf32, #tpu.memory_space<vmem_shared>> -> memref<1024x128xf32, #tpu.memory_space<vmem_shared>>
    tpu.wait_indirect_dma semaphore(%arg12 : memref<!tpu.dma_semaphore, #tpu.memory_space<semaphore_mem>>) src(%dma_wait3A_755 : memref<128x128xf32, #tpu.memory_space<vmem>>) dst(%dma_wait3A_761 : memref<1024x128xf32, #tpu.memory_space<vmem_shared>>)
    %dma_wait3A_762 = arith.constant 1 : i32
    %dma_wait3A_763 = arith.constant 128 : i32
    %dma_wait3A_764 = arith.constant 0 : i32
    %dma_wait3A_765 = tpu.memref_slice %arg7[%dma_wait3A_763, %dma_wait3A_764] : memref<512x128xf32, #tpu.memory_space<vmem>> -> memref<128x128xf32, #tpu.memory_space<vmem>>
    %dma_wait3A_766 = arith.constant 0 : i32
    %dma_wait3A_767 = tpu.memref_slice %arg6[%dma_wait3A_762, %dma_wait3A_766] : memref<4x128xi32, #tpu.memory_space<vmem>> -> memref<1x128xi32, #tpu.memory_space<vmem>>
    %dma_wait3A_768 = tpu.memref_squeeze %dma_wait3A_767 : memref<1x128xi32, #tpu.memory_space<vmem>> -> memref<128xi32, #tpu.memory_space<vmem>>
    %dma_wait3A_769 = arith.constant 0 : i32
    %dma_wait3A_770 = arith.constant 0 : i32
    %dma_wait3A_771 = tpu.memref_slice %arg10[%dma_wait3A_769, %dma_wait3A_770] : memref<1024x128xf32, #tpu.memory_space<vmem_shared>> -> memref<1024x128xf32, #tpu.memory_space<vmem_shared>>
    tpu.wait_indirect_dma semaphore(%arg12 : memref<!tpu.dma_semaphore, #tpu.memory_space<semaphore_mem>>) src(%dma_wait3A_765 : memref<128x128xf32, #tpu.memory_space<vmem>>) dst(%dma_wait3A_771 : memref<1024x128xf32, #tpu.memory_space<vmem_shared>>)
    %dma_wait3A_772 = arith.constant 2 : i32
    %dma_wait3A_773 = arith.constant 256 : i32
    %dma_wait3A_774 = arith.constant 0 : i32
    %dma_wait3A_775 = tpu.memref_slice %arg7[%dma_wait3A_773, %dma_wait3A_774] : memref<512x128xf32, #tpu.memory_space<vmem>> -> memref<128x128xf32, #tpu.memory_space<vmem>>
    %dma_wait3A_776 = arith.constant 0 : i32
    %dma_wait3A_777 = tpu.memref_slice %arg6[%dma_wait3A_772, %dma_wait3A_776] : memref<4x128xi32, #tpu.memory_space<vmem>> -> memref<1x128xi32, #tpu.memory_space<vmem>>
    %dma_wait3A_778 = tpu.memref_squeeze %dma_wait3A_777 : memref<1x128xi32, #tpu.memory_space<vmem>> -> memref<128xi32, #tpu.memory_space<vmem>>
    %dma_wait3A_779 = arith.constant 0 : i32
    %dma_wait3A_780 = arith.constant 0 : i32
    %dma_wait3A_781 = tpu.memref_slice %arg10[%dma_wait3A_779, %dma_wait3A_780] : memref<1024x128xf32, #tpu.memory_space<vmem_shared>> -> memref<1024x128xf32, #tpu.memory_space<vmem_shared>>
    tpu.wait_indirect_dma semaphore(%arg12 : memref<!tpu.dma_semaphore, #tpu.memory_space<semaphore_mem>>) src(%dma_wait3A_775 : memref<128x128xf32, #tpu.memory_space<vmem>>) dst(%dma_wait3A_781 : memref<1024x128xf32, #tpu.memory_space<vmem_shared>>)
    %dma_wait3A_782 = arith.constant 3 : i32
    %dma_wait3A_783 = arith.constant 384 : i32
    %dma_wait3A_784 = arith.constant 0 : i32
    %dma_wait3A_785 = tpu.memref_slice %arg7[%dma_wait3A_783, %dma_wait3A_784] : memref<512x128xf32, #tpu.memory_space<vmem>> -> memref<128x128xf32, #tpu.memory_space<vmem>>
    %dma_wait3A_786 = arith.constant 0 : i32
    %dma_wait3A_787 = tpu.memref_slice %arg6[%dma_wait3A_782, %dma_wait3A_786] : memref<4x128xi32, #tpu.memory_space<vmem>> -> memref<1x128xi32, #tpu.memory_space<vmem>>
    %dma_wait3A_788 = tpu.memref_squeeze %dma_wait3A_787 : memref<1x128xi32, #tpu.memory_space<vmem>> -> memref<128xi32, #tpu.memory_space<vmem>>
    %dma_wait3A_789 = arith.constant 0 : i32
    %dma_wait3A_790 = arith.constant 0 : i32
    %dma_wait3A_791 = tpu.memref_slice %arg10[%dma_wait3A_789, %dma_wait3A_790] : memref<1024x128xf32, #tpu.memory_space<vmem_shared>> -> memref<1024x128xf32, #tpu.memory_space<vmem_shared>>
    tpu.wait_indirect_dma semaphore(%arg12 : memref<!tpu.dma_semaphore, #tpu.memory_space<semaphore_mem>>) src(%dma_wait3A_785 : memref<128x128xf32, #tpu.memory_space<vmem>>) dst(%dma_wait3A_791 : memref<1024x128xf32, #tpu.memory_space<vmem_shared>>)
    %barrier3A_792 = arith.constant 0 : index
    tpu.barrier barrier_id(%barrier3A_792)
    %mul3A_793 = arith.constant 64 : i32
    %mul3A_794 = arith.muli %arg1, %mul3A_793 : i32
    "tpu.region"() ({
      %run_scoped3A = tpu.sem_alloc : memref<!tpu.dma_semaphore, #tpu.memory_space<semaphore_mem>>
      %dma_start3A_801 = arith.constant 0 : i32
      %dma_start3A_802 = tpu.memref_slice %arg4[%arg0, %mul3A_794, %dma_start3A_801] : memref<2x1024x128xf32, #tpu.memory_space<hbm>> -> memref<1x64x128xf32, #tpu.memory_space<hbm>>
      %dma_start3A_803 = tpu.memref_squeeze %dma_start3A_802 : memref<1x64x128xf32, #tpu.memory_space<hbm>> -> memref<64x128xf32, #tpu.memory_space<hbm>>
      %dma_start3A_804 = arith.constant 0 : i32
      %dma_start3A_805 = tpu.memref_slice %arg10[%mul3A_794, %dma_start3A_804] : memref<1024x128xf32, #tpu.memory_space<vmem_shared>> -> memref<64x128xf32, #tpu.memory_space<vmem_shared>>
      tpu.enqueue_dma source(%dma_start3A_805 : memref<64x128xf32, #tpu.memory_space<vmem_shared>>) target(%dma_start3A_803 : memref<64x128xf32, #tpu.memory_space<hbm>>) target_semaphore(%run_scoped3A : memref<!tpu.dma_semaphore, #tpu.memory_space<semaphore_mem>>)
      %dma_wait3A_806 = arith.constant 0 : i32
      %dma_wait3A_807 = tpu.memref_slice %arg4[%arg0, %mul3A_794, %dma_wait3A_806] : memref<2x1024x128xf32, #tpu.memory_space<hbm>> -> memref<1x64x128xf32, #tpu.memory_space<hbm>>
      %dma_wait3A_808 = tpu.memref_squeeze %dma_wait3A_807 : memref<1x64x128xf32, #tpu.memory_space<hbm>> -> memref<64x128xf32, #tpu.memory_space<hbm>>
      %dma_wait3A_809 = arith.constant 0 : i32
      %dma_wait3A_810 = tpu.memref_slice %arg10[%mul3A_794, %dma_wait3A_809] : memref<1024x128xf32, #tpu.memory_space<vmem_shared>> -> memref<64x128xf32, #tpu.memory_space<vmem_shared>>
      tpu.wait_dma2 semaphore(%run_scoped3A : memref<!tpu.dma_semaphore, #tpu.memory_space<semaphore_mem>>) src(%dma_wait3A_810 : memref<64x128xf32, #tpu.memory_space<vmem_shared>>) dst(%dma_wait3A_808 : memref<64x128xf32, #tpu.memory_space<hbm>>)
      tpu.yield
    }) : () -> ()
    %dma_wait3A_795 = arith.constant 0 : i32
    %dma_wait3A_796 = tpu.memref_slice %arg5[%arg0, %arg1, %dma_wait3A_795] : memref<2x16x1024xf32, #tpu.memory_space<hbm>> -> memref<1x1x1024xf32, #tpu.memory_space<hbm>>
    %dma_wait3A_797 = tpu.memref_squeeze %dma_wait3A_796 : memref<1x1x1024xf32, #tpu.memory_space<hbm>> -> memref<1024xf32, #tpu.memory_space<hbm>>
    %dma_wait3A_798 = arith.constant 0 : i32
    %dma_wait3A_799 = tpu.memref_slice %arg5[%arg0, %arg1, %dma_wait3A_798] : memref<2x16x1024xf32, #tpu.memory_space<hbm>> -> memref<1x1x1024xf32, #tpu.memory_space<hbm>>
    %dma_wait3A_800 = tpu.memref_squeeze %dma_wait3A_799 : memref<1x1x1024xf32, #tpu.memory_space<hbm>> -> memref<1024xf32, #tpu.memory_space<hbm>>
    tpu.wait_dma2 semaphore(%arg11 : memref<!tpu.dma_semaphore, #tpu.memory_space<semaphore_mem>>) src(%arg8 : memref<1024xf32, #tpu.memory_space<vmem>>) dst(%dma_wait3A_800 : memref<1024xf32, #tpu.memory_space<hbm>>)
    return
  }
}

module attributes {stable_mosaic.version = 14 : i64} {
  func.func @_tc_combine_body(%arg0: memref<2x1024x128xf32, #tpu.memory_space<vmem>>, %arg1: memref<2x16x1024xf32, #tpu.memory_space<vmem>>, %arg2: memref<1000x128xf32, #tpu.memory_space<vmem>>, %arg3: memref<1000x128xf32, #tpu.memory_space<vmem>>) attributes {dimension_semantics = [], scalar_prefetch = 0 : i64, scratch_operands = 0 : i64, tpu.core_type = #tpu.core_type<tc>} {
    %get3A = arith.constant 0 : index
    %get3A_0 = arith.constant 0 : index
    %get3A_1 = arith.constant 0 : index
    %get3A_2 = vector.load %arg0[%get3A, %get3A_0, %get3A_1] : memref<2x1024x128xf32, #tpu.memory_space<vmem>>, vector<1x1000x128xf32>
    %get3A_3 = vector.shape_cast %get3A_2 : vector<1x1000x128xf32> to vector<1000x128xf32>
    %get3A_4 = arith.constant 1 : index
    %get3A_5 = arith.constant 0 : index
    %get3A_6 = arith.constant 0 : index
    %get3A_7 = vector.load %arg0[%get3A_4, %get3A_5, %get3A_6] : memref<2x1024x128xf32, #tpu.memory_space<vmem>>, vector<1x1000x128xf32>
    %get3A_8 = vector.shape_cast %get3A_7 : vector<1x1000x128xf32> to vector<1000x128xf32>
    %add3A = arith.addf %get3A_3, %get3A_8 : vector<1000x128xf32>
    %get3A_9 = arith.constant 0 : index
    %get3A_10 = arith.constant 0 : index
    %get3A_11 = arith.constant 0 : index
    %get3A_12 = vector.load %arg1[%get3A_9, %get3A_10, %get3A_11] : memref<2x16x1024xf32, #tpu.memory_space<vmem>>, vector<1x16x1024xf32>
    %get3A_13 = vector.shape_cast %get3A_12 : vector<1x16x1024xf32> to vector<16x1024xf32>
    %reduce_sum3A = arith.constant dense<0.000000e+00> : vector<1024xf32>
    %reduce_sum3A_14 = vector.multi_reduction <add>, %get3A_13, %reduce_sum3A [0] : vector<16x1024xf32> to vector<1024xf32>
    %get3A_15 = arith.constant 1 : index
    %get3A_16 = arith.constant 0 : index
    %get3A_17 = arith.constant 0 : index
    %get3A_18 = vector.load %arg1[%get3A_15, %get3A_16, %get3A_17] : memref<2x16x1024xf32, #tpu.memory_space<vmem>>, vector<1x16x1024xf32>
    %get3A_19 = vector.shape_cast %get3A_18 : vector<1x16x1024xf32> to vector<16x1024xf32>
    %reduce_sum3A_20 = arith.constant dense<0.000000e+00> : vector<1024xf32>
    %reduce_sum3A_21 = vector.multi_reduction <add>, %get3A_19, %reduce_sum3A_20 [0] : vector<16x1024xf32> to vector<1024xf32>
    %add3A_22 = arith.addf %reduce_sum3A_14, %reduce_sum3A_21 : vector<1024xf32>
    %slice3A = vector.extract_strided_slice %add3A_22 {offsets = [0], sizes = [1000], strides = [1]} : vector<1024xf32> to vector<1000xf32>
    %broadcast_in_dim3A = vector.shape_cast %slice3A : vector<1000xf32> to vector<1000x1xf32>
    %gt3A = arith.constant 0.000000e+00 : f32
    %gt3A_23 = vector.broadcast %gt3A : f32 to vector<1000x1xf32>
    %gt3A_24 = arith.cmpf ogt, %broadcast_in_dim3A, %gt3A_23 : vector<1000x1xf32>
    %jit3A = arith.constant 1.000000e+00 : f32
    %broadcast_in_dim3A_25 = vector.broadcast %jit3A : f32 to vector<1000x1xf32>
    %select_n3A = arith.select %gt3A_24, %broadcast_in_dim3A, %broadcast_in_dim3A_25 : vector<1000x1xi1>, vector<1000x1xf32>
    %div3A = arith.constant 1.000000e+00 : f32
    %div3A_26 = vector.broadcast %div3A : f32 to vector<1000x1xf32>
    %div3A_27 = arith.divf %div3A_26, %select_n3A : vector<1000x1xf32>
    %get3A_28 = arith.constant 0 : index
    %get3A_29 = arith.constant 0 : index
    %get3A_30 = vector.load %arg2[%get3A_28, %get3A_29] : memref<1000x128xf32, #tpu.memory_space<vmem>>, vector<1000x128xf32>
    %mul3A = vector.broadcast %div3A_27 : vector<1000x1xf32> to vector<1000x128xf32>
    %mul3A_31 = arith.mulf %add3A, %mul3A : vector<1000x128xf32>
    %mul3A_32 = arith.constant 3.000000e-01 : f32
    %mul3A_33 = vector.broadcast %mul3A_32 : f32 to vector<1000x128xf32>
    %mul3A_34 = arith.mulf %mul3A_31, %mul3A_33 : vector<1000x128xf32>
    %mul3A_35 = arith.constant 0.699999988 : f32
    %mul3A_36 = vector.broadcast %mul3A_35 : f32 to vector<1000x128xf32>
    %mul3A_37 = arith.mulf %mul3A_36, %get3A_30 : vector<1000x128xf32>
    %add3A_38 = arith.addf %mul3A_34, %mul3A_37 : vector<1000x128xf32>
    %broadcast_in_dim3A_39 = vector.shape_cast %gt3A_24 : vector<1000x1xi1> to vector<1000x1xi1>
    %broadcast_in_dim3A_40 = vector.broadcast %broadcast_in_dim3A_39 : vector<1000x1xi1> to vector<1000x128xi1>
    %select_n3A_41 = arith.select %broadcast_in_dim3A_40, %add3A_38, %get3A_30 : vector<1000x128xi1>, vector<1000x128xf32>
    %swap3A = arith.constant 0 : index
    %swap3A_42 = arith.constant 0 : index
    %swap3A_43 = vector.load %arg3[%swap3A, %swap3A_42] : memref<1000x128xf32, #tpu.memory_space<vmem>>, vector<1000x128xf32>
    tpu.vector_store %arg3[%swap3A, %swap3A_42], %select_n3A_41 {strides = array<i32>} : memref<1000x128xf32, #tpu.memory_space<vmem>>, vector<1000x128xf32>,
    return
  }
}

</mosaic_0001>

<sc_bundles>
// kernel: kernel.4.cloned.1.call-start
scs
__scs_entry_jumppad:
0x0: {  	(pc) =	sbr.rel $0x88, $3  }
0x1: {  	(tag) =	ssettag $0x0;
	lr =	simm.s32 $0x1  }
0x2: {  	[smem:$0x3F9E] =	sst lr;
	_ =	strace $0xD0000000  }
0x3: {  	_ = 	snop  }
0x4: {  	_ = 	snop  }
0x5: {  	_ = 	snop  }
0x6: {  	_ = 	snop  }
0x7: {  	_ = 	snop  }
__scs_overlays_trampoline_lowered:
0x8: {  	[smem:$0x3FAD] =	sst s0  }
0x9: {  	[smem:$0x3FAE] =	sst s1  }
0xa: {  	[smem:$0x3FAF] =	sst s2  }
0xb: {  	[smem:$0x3FB0] =	sst s3  }
0xc: {  	[smem:$0x3FB1] =	sst s4  }
0xd: {  	[smem:$0x3FB2] =	sst s5  }
0xe: {  	[smem:$0x3FB3] =	sst s6  }
0xf: {  	[smem:$0x3FB4] =	sst s7  }
0x10: {  	[smem:$0x3FB5] =	sst s8  }
0x11: {  	[smem:$0x3FB6] =	sst s9;
	s0 =	simm.s32 @!p0 $0x0  }
0x12: {  	s1 =	sld [smem:$0x3F9C];
	s0 =	simm.s32 @p0 $0x1  }
0x13: {  	[smem:$0x3FB7] =	sst s0;
	s0 =	simm.s32 @!p1 $0x0  }
0x14: {  	s2 =	sld [smem:$0x3F9B];
	s0 =	simm.s32 @p1 $0x1  }
0x15: {  	[smem:$0x3FB8] =	sst s0;
	s0 =	simm.s32 @!p2 $0x0  }
0x16: {  	s3 =	sld [smem:$0x3FDB];
	s0 =	simm.s32 @p2 $0x1  }
0x17: {  	s4 =	simm.s32 $0x1BF5;
	[smem:$0x3FBA] =	sst s0  }
0x18: {  	s0 =	sld [smem:$0x3F9D];
	_ =	swait.ge [sflag:s4], $0x0  }
0x19: {  	s7 =	sld [smem:$0x3F9E]  }
0x1a: {  	s8 =	sadd.s32 $0xFFFFE003, lr  }
0x1b: {  	s9 =	sadd.s32 $0xFFFFFEF7, lr;
	s5 =	simm.s32 $0xFFFFFFFF;
	p2 =	slt.u32 s8, $0xFFFFF086  }
0x1c: {  	p1 =	slt.u32 s9, $0xF7A;
	s5 =	simm.s32 @!p2 $0x0  }
0x1d: {  	s5 =	simm.s32 @p1 $0x1;
	p0 =	seq.s32 s7, s2  }
0x1e: {  	s7 =	smul.u32 @!p0 $0xF7A, s2;
	p2 =	seq.s32 @!p0 s5, $0x0  }
0x1f: {  	s9 =	smul.u32 $0xF7A, s1;
	s8 =	simm.s32 @!p0 $0x1BF5;
	p2 =	por !p2, p0  }
0x20: {  	[sflag:s8] =	ssyncset.s32 @!p0 $0xFFFFF086;
	s6 =	sadd.s32 @!p0 s3, s7;
	s7 =	simm.s32 @!p0 $0x108  }
0x21: {  	s3 =	sadd.s32 s3, s9;
	s6 =	sadd.s32 @!p0 $0x88, s6;
	s7 =	simm.s32 @p2 $0x1082  }
0x22: {  	[simem:s7], [sflag:s8] =	dma.local @!p0 [hbm:s6], $0xF7A  }
0x23: {  	s9 =	sor.u32 $0xD0000000, s2;
	s6 =	simm.s32 $0x108;
	_ =	swait.ge @!p0 [sflag:s8], $0x0  }
0x24: {  	s3 =	sadd.s32 $0x88, s3;
	s6 =	simm.s32 @!p1 $0x1082;
	[sflag:s4] =	ssyncset.s32 $0xFFFFF086  }
0x25: {  	[simem:s6], [sflag:s4] =	dma.local [hbm:s3], $0xF7A  }
0x26: {  	[smem:$0x3F9E] =	sst s1;
	(tag) =	ssettag s2;
	_ =	strace s9  }
0x27: {  	s1 =	sld [smem:$0x3FAE]  }
0x28: {  	s2 =	sld [smem:$0x3FAF]  }
0x29: {  	s4 =	sld [smem:$0x3FB1]  }
0x2a: {  	p0 =	seq.s32 s5, $0x0;
	s5 =	sld [smem:$0x3FB2]  }
0x2b: {  	s6 =	sld [smem:$0x3FB3]  }
0x2c: {  	s7 =	sld [smem:$0x3FB4]  }
0x2d: {  	s3 =	simm.s32 $0x108;
	s8 =	sld [smem:$0x3FB5]  }
0x2e: {  	s3 =	simm.s32 @!p0 $0x1082;
	s9 =	sld [smem:$0x3FB6]  }
0x2f: {  	lr =	sadd.s32 s0, s3;
	s0 =	sld [smem:$0x3FAD]  }
0x30: {  	s3 =	sld [smem:$0x3FB0]  }
0x31: {  	[smem:$0x3FB9] =	sst s10  }
0x32: {  	s10 =	sld [smem:$0x3FB7];
	_ =	sdelay $0x3  }
0x33: {  	p0 =	seq.s32 s10, $0x1;
	s10 =	sld [smem:$0x3FB9];
	_ =	sdelay $0x3  }
0x34: {  	[smem:$0x3FB9] =	sst s10  }
0x35: {  	s10 =	sld [smem:$0x3FB8];
	_ =	sdelay $0x3  }
0x36: {  	p1 =	seq.s32 s10, $0x1;
	s10 =	sld [smem:$0x3FB9];
	_ =	sdelay $0x3  }
0x37: {  	[smem:$0x3FB9] =	sst s10  }
0x38: {  	s10 =	sld [smem:$0x3FBA]  }
0x39: {  	_ = 	snop;
	(pc) =	sbr.ind lr, $3  }
0x3a: {  	_ = 	snop  }
0x3b: {  	_ = 	snop  }
0x3c: {  	p2 =	seq.s32 s10, $0x1;
	s10 =	sld [smem:$0x3FB9]  }
0x3d: {  	_ =	shalt  }
0x3e: {  	_ =	shalt  }
0x3f: {  	_ =	shalt  }
0x40: {  	_ =	shalt  }
0x41: {  	_ =	shalt  }
0x42: {  	_ =	shalt  }
0x43: {  	_ =	shalt  }
0x44: {  	_ =	shalt  }
0x45: {  	_ =	shalt  }
0x46: {  	_ =	shalt  }
0x47: {  	_ =	shalt  }
0x48: {  	_ =	shalt  }
0x49: {  	_ =	shalt  }
0x4a: {  	_ =	shalt  }
0x4b: {  	_ =	shalt  }
0x4c: {  	_ =	shalt  }
0x4d: {  	_ =	shalt  }
0x4e: {  	_ =	shalt  }
0x4f: {  	_ =	shalt  }
0x50: {  	_ =	shalt  }
0x51: {  	_ =	shalt  }
0x52: {  	_ =	shalt  }
0x53: {  	_ =	shalt  }
0x54: {  	_ =	shalt  }
0x55: {  	_ =	shalt  }
0x56: {  	_ =	shalt  }
0x57: {  	_ =	shalt  }
0x58: {  	_ =	shalt  }
0x59: {  	_ =	shalt  }
0x5a: {  	_ =	shalt  }
0x5b: {  	_ =	shalt  }
0x5c: {  	_ =	shalt  }
0x5d: {  	_ =	shalt  }
0x5e: {  	_ =	shalt  }
0x5f: {  	_ =	shalt  }
0x60: {  	_ =	shalt  }
0x61: {  	_ =	shalt  }
0x62: {  	_ =	shalt  }
0x63: {  	_ =	shalt  }
0x64: {  	_ =	shalt  }
0x65: {  	_ =	shalt  }
0x66: {  	_ =	shalt  }
0x67: {  	_ =	shalt  }
0x68: {  	_ =	shalt  }
0x69: {  	_ =	shalt  }
0x6a: {  	_ =	shalt  }
0x6b: {  	_ =	shalt  }
0x6c: {  	_ =	shalt  }
0x6d: {  	_ =	shalt  }
0x6e: {  	_ =	shalt  }
0x6f: {  	_ =	shalt  }
0x70: {  	_ =	shalt  }
0x71: {  	_ =	shalt  }
0x72: {  	_ =	shalt  }
0x73: {  	_ =	shalt  }
0x74: {  	_ =	shalt  }
0x75: {  	_ =	shalt  }
0x76: {  	_ =	shalt  }
0x77: {  	_ =	shalt  }
0x78: {  	_ =	shalt  }
0x79: {  	_ =	shalt  }
0x7a: {  	_ =	shalt  }
0x7b: {  	_ =	shalt  }
0x7c: {  	_ =	shalt  }
0x7d: {  	_ =	shalt  }
0x7e: {  	_ =	shalt  }
0x7f: {  	_ =	shalt  }
0x80: {  	_ =	shalt  }
0x81: {  	_ =	shalt  }
0x82: {  	_ =	shalt  }
0x83: {  	_ =	shalt  }
0x84: {  	_ =	shalt  }
0x85: {  	_ =	shalt  }
0x86: {  	_ =	shalt  }
0x87: {  	_ =	shalt  }
.Lfunc_end0:
.L_simem_size_0:
called_computation_lowered:
.L_overlay_start_0:
0x88: {  	s2 =	sld [smem:$0x3FD9]  }
0x89: {  	s3 =	sld [smem:$0x3FFE];
	_ =	sdelay $0x1  }
0x8a: {  	s1 =	srdreg.scid  }
0x8b: {  	s0 =	sand.u32 $0x1, s1  }
0x8c: {  	s17 =	sshll.u32 s0, $0xA;
	s2 =	sadd.s32 s3, s2  }
0x8d: {  	s2 =	sadd.s32 s2, s17  }
0x8e: {  	[smem:$0x3FC5] =	sst s2  }
0x8f: {  	_ = 	snop  }
0x90: {  	s2 =	sld [smem:$0x3FC9]  }
0x91: {  	s18 =	sld [smem:$0x3FC7]  }
0x92: {  	s4 =	sld [smem:$0x3FD0];
	(tm) =	ssettm $0x1  }
0x93: {  	s5 =	sld [smem:$0x3FFB];
	_ =	sdelay $0x3  }
0x94: {  	_ =	strace s5  }
0x95: {  	s5 =	sld [smem:$0x3FFC];
	_ =	sdelay $0x3  }
0x96: {  	_ =	strace s5  }
0x97: {  	s5 =	sld [smem:$0x3FFD];
	_ =	sdelay $0x3  }
0x98: {  	_ =	strace s5  }
0x99: {  	_ =	strace $0x8FFFFFFF  }
0x9a: {  	s19 =	sld [smem:$0x3FDB];
	_ =	sdelay $0x1  }
0x9b: {  	s6 =	simm.s32 $_scs_section_size  }
0x9c: {  	s7 =	simm.s32 $_size__tile_overlayer_lowered;
	s8 =	simm.s32 $_tile_overlayer_lowered  }
0x9d: {  	s22 =	simm.s32 $0x1BFF;
	s21 =	sshll.u32 s8, $0x1;
	s5 =	sadd.s32 s6, s19  }
0x9e: {  	s9 =	simm.s32 $0x0;
	s20 =	sshll.u32 s7, $0x1;
	s7 =	sadd.s32 s21, s5  }
0x9f: {  	[timem:s9], [sflag:s22] =	dma.local [hbm:s7], s20  }
0xa0: {  	_ =	swait.ge [sflag:s22], s20  }
0xa1: {  	s6 =	ssub.s32 $0x0, s20;
	[sflag:s22] =	ssyncset.done $0x0  }
0xa2: {  	[sflag:s22] =	ssyncadd.s32 s6;
	_ =	sdelay $0x1  }
0xa3: {  	s23 =	simm.s32 $0x1B8B  }
0xa4: {  	_ =	swait.ge [sflag:s23], $0x1  }
0xa5: {  	[sflag:s23] =	ssyncset.done $0x0  }
0xa6: {  	s25 =	simm.s32 $0x1B8E;
	s24 =	sld [smem:$0x3FFE];
	[sflag:s23] =	ssyncadd.s32 $0xFFFFFFFF  }
0xa7: {  	s26 =	simm.s32 $execute0_lowered;
	[smem:$0x3FD2] =	sst s25  }
0xa8: {  	s7 =	sshll.u32 s26, $0x1;
	_ =	strace $0x80000046;
	[dreg:$0x1] =	wrdreg $0xFFFFFFFF  }
0xa9: {  	s28 =	simm.s32 $_size_execute0_lowered;
	s5 =	sadd.s32 s5, s7;
	[dreg:$0x0] =	wrdreg $0x0  }
0xaa: {  	s7 =	sshll.u32 s28, $0x1;
	[dreg:$0x2] =	wrdreg s5  }
0xab: {  	[dreg:$0x3] =	wrdreg s7  }
0xac: {  	[dreg:$0x4] =	wrdreg $0xC0  }
0xad: {  	_ =	task [dreg:s9], $0x5FFFF  }
0xae: {  	[dreg:$0x1] =	wrdreg $0xFFFFFFFF  }
0xaf: {  	[dreg:$0x0] =	wrdreg $0x60  }
0xb0: {  	[dreg:$0x2] =	wrdreg s2  }
0xb1: {  	[dreg:$0x3] =	wrdreg s18  }
0xb2: {  	[dreg:$0x4] =	wrdreg s24  }
0xb3: {  	[dreg:$0x5] =	wrdreg s4  }
0xb4: {  	[dreg:$0x6] =	wrdreg $0x10A000  }
0xb5: {  	[dreg:$0x7] =	wrdreg $0x9  }
0xb6: {  	_ =	task.clear_ibuf [dreg:s9], $0x8FFFF;
	_ =	strace $0x90000046  }
0xb7: {  	s29 =	simm.s32 $0x9;
	_ =	strace $0x80000048  }
0xb8: {  	_ =	swait.ge [sflag:s29], $0x1  }
0xb9: {  	[sflag:s29] =	ssyncadd.s32 $0xFFFFFFFF  }
0xba: {  	_ =	strace $0x90000048  }
0xbb: {  	_ =	sfence  }
0xbc: {  	s30 =	sld [smem:$0x0];
	_ =	sdelay $0x2  }
0xbd: {  	s31 =	sshll.u32 s1, $0xD;
	s1 =	sshrl.u32 s1, $0x2  }
0xbe: {  	s3 =	sand.u32 $0x4000, s31;
	s1 =	sadd.s32 s1, s30  }
0xbf: {  	s0 =	sor.u32 s3, s0;
	s1 =	sshll.u32 s1, $0x11  }
0xc0: {  	s0 =	sor.u32 s1, s0  }
0xc1: {  	s0 =	sadd.s32 $0x8F2B, s0  }
0xc2: {  	[sflag:s0] =	ssyncadd.remote.s32 $0x1  }
0xc3: {  	_ =	sfence.sel $0xFFFF  }
0xc4: {  	[dreg:$0x0] =	wrdreg $0xFFFFFFFF;
	(pc) =	sbr.abs _section_cstart, $3  }
0xc5: {  	[dreg:$0x1] =	wrdreg $0xFFFFFFFF  }
0xc6: {  	_ =	task.clear_ibuf [dreg:s9], $0x2FFFF;
	_ =	strace $0x9FFFFFFF  }
0xc7: {  	(tm) =	ssettm $0x7FFFFFFF  }
tec
execute0_lowered:
.L_overlay_start_1:
0x0: {  	(tag) =	ssettag $0x1  }
0x1: {  	s8 =	rddreg [dreg:$0x0]  }
0x2: {  	s9 =	rddreg [dreg:$0x1]  }
0x3: {  	s5 =	rddreg [dreg:$0x2]  }
0x4: {  	s13 =	rddreg [dreg:$0x3]  }
0x5: {  	s2 =	rddreg [dreg:$0x4];
	s3 =	simm.s32 $0x0;
	s1 =	stileid.u32  }
0x6: {  	s7 =	srdreg.scid;
	s28 =	simm.s32 $0x180;
	s29 =	simm.s32 $0x400  }
0x7: {  	s30 =	simm.s32 $0x2;
	[smem:$0x7FF] =	sst s3;
	s4 =	sshll.u32 s1, $0xD  }
0x8: {  	s6 =	sshll.u32 s1, $0xA;
	s14 =	sand.u32 $0x1, s7;
	s7 =	sshll.u32 s1, $0x6  }
0x9: {  	s18 =	sshll.u32 s1, $0x7;
	s19 =	sshll.u32 s1, $0x4;
	_ =	strace $0x80000047  }
0xa: {  	s4 =	sadd.s32 s4, s2;
	s15 =	sadd.s32 s6, s5;
	s21 =	ssub.s32 $0x2, s14  }
0xb: {  	s10 =	sshll.u32 s14, $0x4;
	s12 =	sand.u32 $0x40, s7;
	s17 =	sshll.u32 s14, $0xB  }
0xc: {  	s18 =	sand.u32 $0x400, s18;
	s26 =	sand.u32 $0x70, s19;
	s31 =	sshll.u32 s14, $0xE  }
0xd: {  	s19 =	simm.s32 $0x1;
	s20 =	sadd.s32 $0x400, s4;
	s22 =	sadd.s32 $0x800, s4  }
0xe: {  	s23 =	sshrl.u32 s21, $0x1;
	s24 =	sadd.s32 $0xC00, s4;
	s25 =	sadd.s32 $0x1000, s4  }
0xf: {  	s10 =	sor.u32 s1, s10;
	s5 =	sadd.s32 $0x1400, s4;
	s6 =	sadd.s32 $0x1800, s4  }
0x10: {  	s12 =	sadd.s32 s9, s12;
	s9 =	sadd.s32 $0x1C00, s4;
	[dreg:$0x6] =	wrdreg s20  }
0x11: {  	s13 =	sadd.s32 s13, s17;
	s15 =	sadd.s32 s31, s15;
	[dreg:$0x7] =	wrdreg s22  }
0x12: {  	s17 =	simm.s32 $0x10600;
	[dreg:$0x8] =	wrdreg s24;
	s16 =	ssub.s32 s21, s23  }
0x13: {  	[dreg:$0x9] =	wrdreg s25;
	s11 =	sshll.u32 s10, $0x6;
	s10 =	sshll.u32 s10, $0xD  }
0x14: {  	s18 =	sadd.s32 s18, s13;
	s15 =	sadd.s32 $0xE00, s15;
	s20 =	simm.s32 $0x200  }
0x15: {  	s21 =	simm.s32 $0x4200;
	s22 =	simm.s32 $0x8200;
	s23 =	simm.s32 $0xC200  }
0x16: {  	s24 =	simm.s32 $0x10200;
	s25 =	simm.s32 $0x80;
	s11 =	sand.u32 $0x780, s11  }
0x17: {  	s8 =	sadd.s32 s8, s10;
	s14 =	sadd.s32 s26, s18;
	s16 =	smax.u32 s16, $0x1  }
0x18: {  	s18 =	simm.s32 $0x3;
	s26 =	simm.s32 $0x100;
	s10 =	sadd.s32 s11, s12  }
0x19: {  	v0 =	vimm.f32 $0.0e+00;
	v1 =	vimm.f32 $1.000000000e+00;
	s11 =	sadd.s32 $0x800, s8;
	s12 =	sadd.s32 $0x1000, s8;
	s13 =	sadd.s32 $0x1800, s8  }
.LBB2_1:
0x1a: {  	[tilespmem:$0x10600] =	vst v0  }
0x1b: {  	[tilespmem:$0x10610] =	vst v0  }
0x1c: {  	[tilespmem:$0x10620] =	vst v0  }
0x1d: {  	[tilespmem:$0x10630] =	vst v0  }
0x1e: {  	[tilespmem:$0x10640] =	vst v0  }
0x1f: {  	[tilespmem:$0x10650] =	vst v0  }
0x20: {  	[tilespmem:$0x10660] =	vst v0  }
0x21: {  	[tilespmem:$0x10670] =	vst v0  }
0x22: {  	[tilespmem:$0x10680] =	vst v0  }
0x23: {  	[tilespmem:$0x10690] =	vst v0  }
0x24: {  	[tilespmem:$0x106A0] =	vst v0  }
0x25: {  	[tilespmem:$0x106B0] =	vst v0  }
0x26: {  	[tilespmem:$0x106C0] =	vst v0  }
0x27: {  	[tilespmem:$0x106D0] =	vst v0  }
0x28: {  	[tilespmem:$0x106E0] =	vst v0  }
0x29: {  	[tilespmem:$0x106F0] =	vst v0  }
0x2a: {  	[tilespmem:$0x10700] =	vst v0  }
0x2b: {  	[tilespmem:$0x10710] =	vst v0  }
0x2c: {  	[tilespmem:$0x10720] =	vst v0  }
0x2d: {  	[tilespmem:$0x10730] =	vst v0  }
0x2e: {  	[tilespmem:$0x10740] =	vst v0  }
0x2f: {  	[tilespmem:$0x10750] =	vst v0  }
0x30: {  	[tilespmem:$0x10760] =	vst v0  }
0x31: {  	[tilespmem:$0x10770] =	vst v0  }
0x32: {  	[tilespmem:$0x10780] =	vst v0  }
0x33: {  	[tilespmem:$0x10790] =	vst v0  }
0x34: {  	[tilespmem:$0x107A0] =	vst v0  }
0x35: {  	[tilespmem:$0x107B0] =	vst v0  }
0x36: {  	[tilespmem:$0x107C0] =	vst v0  }
0x37: {  	[tilespmem:$0x107D0] =	vst v0  }
0x38: {  	[tilespmem:$0x107E0] =	vst v0  }
0x39: {  	[tilespmem:$0x107F0] =	vst v0  }
0x3a: {  	[tilespmem:$0x10800] =	vst v0  }
0x3b: {  	[tilespmem:$0x10810] =	vst v0  }
0x3c: {  	[tilespmem:$0x10820] =	vst v0  }
0x3d: {  	[tilespmem:$0x10830] =	vst v0  }
0x3e: {  	[tilespmem:$0x10840] =	vst v0  }
0x3f: {  	[tilespmem:$0x10850] =	vst v0  }
0x40: {  	[tilespmem:$0x10860] =	vst v0  }
0x41: {  	[tilespmem:$0x10870] =	vst v0  }
0x42: {  	[tilespmem:$0x10880] =	vst v0  }
0x43: {  	[tilespmem:$0x10890] =	vst v0  }
0x44: {  	[tilespmem:$0x108A0] =	vst v0  }
0x45: {  	[tilespmem:$0x108B0] =	vst v0  }
0x46: {  	[tilespmem:$0x108C0] =	vst v0  }
0x47: {  	[tilespmem:$0x108D0] =	vst v0  }
0x48: {  	[tilespmem:$0x108E0] =	vst v0  }
0x49: {  	[tilespmem:$0x108F0] =	vst v0  }
0x4a: {  	[tilespmem:$0x10900] =	vst v0  }
0x4b: {  	[tilespmem:$0x10910] =	vst v0  }
0x4c: {  	[tilespmem:$0x10920] =	vst v0  }
0x4d: {  	[tilespmem:$0x10930] =	vst v0  }
0x4e: {  	[tilespmem:$0x10940] =	vst v0  }
0x4f: {  	[tilespmem:$0x10950] =	vst v0  }
0x50: {  	[tilespmem:$0x10960] =	vst v0  }
0x51: {  	[tilespmem:$0x10970] =	vst v0  }
0x52: {  	[tilespmem:$0x10980] =	vst v0  }
0x53: {  	[tilespmem:$0x10990] =	vst v0  }
0x54: {  	[tilespmem:$0x109A0] =	vst v0  }
0x55: {  	[tilespmem:$0x109B0] =	vst v0  }
0x56: {  	[tilespmem:$0x109C0] =	vst v0  }
0x57: {  	[tilespmem:$0x109D0] =	vst v0  }
0x58: {  	[tilespmem:$0x109E0] =	vst v0  }
0x59: {  	[tilespmem:$0x109F0] =	vst v0  }
0x5a: {  	[tilespmem:$0x10200] =	vst v0  }
0x5b: {  	[tilespmem:$0x10210] =	vst v0  }
0x5c: {  	[tilespmem:$0x10220] =	vst v0  }
0x5d: {  	[tilespmem:$0x10230] =	vst v0  }
0x5e: {  	[tilespmem:$0x10240] =	vst v0  }
0x5f: {  	[tilespmem:$0x10250] =	vst v0  }
0x60: {  	[tilespmem:$0x10260] =	vst v0  }
0x61: {  	[tilespmem:$0x10270] =	vst v0  }
0x62: {  	[tilespmem:$0x10280] =	vst v0  }
0x63: {  	[tilespmem:$0x10290] =	vst v0  }
0x64: {  	[tilespmem:$0x102A0] =	vst v0  }
0x65: {  	[tilespmem:$0x102B0] =	vst v0  }
0x66: {  	[tilespmem:$0x102C0] =	vst v0  }
0x67: {  	[tilespmem:$0x102D0] =	vst v0  }
0x68: {  	[tilespmem:$0x102E0] =	vst v0  }
0x69: {  	[tilespmem:$0x102F0] =	vst v0  }
0x6a: {  	[tilespmem:$0x10300] =	vst v0  }
0x6b: {  	[tilespmem:$0x10310] =	vst v0  }
0x6c: {  	[tilespmem:$0x10320] =	vst v0  }
0x6d: {  	[tilespmem:$0x10330] =	vst v0  }
0x6e: {  	[tilespmem:$0x10340] =	vst v0  }
0x6f: {  	[tilespmem:$0x10350] =	vst v0  }
0x70: {  	[tilespmem:$0x10360] =	vst v0  }
0x71: {  	[tilespmem:$0x10370] =	vst v0  }
0x72: {  	[tilespmem:$0x10380] =	vst v0  }
0x73: {  	[tilespmem:$0x10390] =	vst v0  }
0x74: {  	[tilespmem:$0x103A0] =	vst v0  }
0x75: {  	[tilespmem:$0x103B0] =	vst v0  }
0x76: {  	[tilespmem:$0x103C0] =	vst v0  }
0x77: {  	[tilespmem:$0x103D0] =	vst v0  }
0x78: {  	[tilespmem:$0x103E0] =	vst v0  }
0x79: {  	[tilespmem:$0x103F0] =	vst v0  }
0x7a: {  	[tilespmem:$0x10400] =	vst v0  }
0x7b: {  	[tilespmem:$0x10410] =	vst v0  }
0x7c: {  	[tilespmem:$0x10420] =	vst v0  }
0x7d: {  	[tilespmem:$0x10430] =	vst v0  }
0x7e: {  	[tilespmem:$0x10440] =	vst v0  }
0x7f: {  	[tilespmem:$0x10450] =	vst v0  }
0x80: {  	[tilespmem:$0x10460] =	vst v0  }
0x81: {  	[tilespmem:$0x10470] =	vst v0  }
0x82: {  	[tilespmem:$0x10480] =	vst v0  }
0x83: {  	[tilespmem:$0x10490] =	vst v0  }
0x84: {  	[tilespmem:$0x104A0] =	vst v0  }
0x85: {  	[tilespmem:$0x104B0] =	vst v0  }
0x86: {  	[tilespmem:$0x104C0] =	vst v0  }
0x87: {  	[tilespmem:$0x104D0] =	vst v0  }
0x88: {  	[tilespmem:$0x104E0] =	vst v0  }
0x89: {  	[tilespmem:$0x104F0] =	vst v0  }
0x8a: {  	[tilespmem:$0x10500] =	vst v0  }
0x8b: {  	[tilespmem:$0x10510] =	vst v0  }
0x8c: {  	[tilespmem:$0x10520] =	vst v0  }
0x8d: {  	[tilespmem:$0x10530] =	vst v0  }
0x8e: {  	[tilespmem:$0x10540] =	vst v0  }
0x8f: {  	[tilespmem:$0x10550] =	vst v0  }
0x90: {  	[tilespmem:$0x10560] =	vst v0  }
0x91: {  	[tilespmem:$0x10570] =	vst v0  }
0x92: {  	[tilespmem:$0x10580] =	vst v0  }
0x93: {  	[tilespmem:$0x10590] =	vst v0  }
0x94: {  	[tilespmem:$0x105A0] =	vst v0  }
0x95: {  	[tilespmem:$0x105B0] =	vst v0  }
0x96: {  	[tilespmem:$0x105C0] =	vst v0  }
0x97: {  	[tilespmem:$0x105D0] =	vst v0  }
0x98: {  	[tilespmem:$0x105E0] =	vst v0  }
0x99: {  	[tilespmem:$0x105F0] =	vst v0  }
0x9a: {  	[spmem:s4] =	stream.linear.scatter [tilespmem:s17], [sflag:$0x1], $0x400, $0x38;
	[tilespmem:$0x12A00] =	vst v63  }
0x9b: {  	s31 =	rddreg [dreg:$0x6]  }
0x9c: {  	[spmem:s31] =	stream.linear.scatter [tilespmem:s17], [sflag:$0x1], $0x400, $0x38;
	[tilespmem:$0x12A00] =	vst v63  }
0x9d: {  	s0 =	rddreg [dreg:$0x7]  }
0x9e: {  	[spmem:s0] =	stream.linear.scatter [tilespmem:s17], [sflag:$0x1], $0x400, $0x38;
	[tilespmem:$0x12A00] =	vst v63  }
0x9f: {  	s31 =	rddreg [dreg:$0x8]  }
0xa0: {  	[spmem:s31] =	stream.linear.scatter [tilespmem:s17], [sflag:$0x1], $0x400, $0x38;
	[tilespmem:$0x12A00] =	vst v63  }
0xa1: {  	s0 =	rddreg [dreg:$0x9]  }
0xa2: {  	[spmem:s0] =	stream.linear.scatter [tilespmem:s17], [sflag:$0x1], $0x400, $0x38;
	[tilespmem:$0x12A00] =	vst v63  }
0xa3: {  	_ = 	snop  }
0xa4: {  	[spmem:s5] =	stream.linear.scatter [tilespmem:s17], [sflag:$0x1], $0x400, $0x38;
	[tilespmem:$0x12A00] =	vst v63  }
0xa5: {  	_ = 	snop  }
0xa6: {  	[spmem:s6] =	stream.linear.scatter [tilespmem:s17], [sflag:$0x1], $0x400, $0x38;
	[tilespmem:$0x12A00] =	vst v63  }
0xa7: {  	_ = 	snop  }
0xa8: {  	[spmem:s9] =	stream.linear.scatter [tilespmem:s17], [sflag:$0x1], $0x400, $0x38;
	[tilespmem:$0x12A00] =	vst v63  }
0xa9: {  	_ = 	snop  }
0xaa: {  	[tilespmem:s3], [sflag:$0x3] =	stream.linear.gather [hbm4b:s10+s3], $0x200, $0x38;
	[tilespmem:$0x12A00] =	vst v63  }
0xab: {  	_ =	swait.ge [sflag:s18], $0x200  }
0xac: {  	[sflag:s18] =	ssyncset.done $0x0  }
0xad: {  	[sflag:s18] =	ssyncadd.s32 $0xFFFFFE00  }
0xae: {  	_ =	swait.ge [sflag:s19], $0x400  }
0xaf: {  	[sflag:s19] =	ssyncset.done $0x0  }
0xb0: {  	[sflag:s19] =	ssyncadd.s32 $0xFFFFFC00  }
0xb1: {  	_ =	swait.ge [sflag:s19], $0x400  }
0xb2: {  	[sflag:s19] =	ssyncset.done $0x0  }
0xb3: {  	[sflag:s19] =	ssyncadd.s32 $0xFFFFFC00  }
0xb4: {  	_ =	swait.ge [sflag:s19], $0x400  }
0xb5: {  	[sflag:s19] =	ssyncset.done $0x0  }
0xb6: {  	[sflag:s19] =	ssyncadd.s32 $0xFFFFFC00  }
0xb7: {  	_ =	swait.ge [sflag:s19], $0x400  }
0xb8: {  	[sflag:s19] =	ssyncset.done $0x0  }
0xb9: {  	[sflag:s19] =	ssyncadd.s32 $0xFFFFFC00  }
0xba: {  	_ =	swait.ge [sflag:s19], $0x400  }
0xbb: {  	[sflag:s19] =	ssyncset.done $0x0  }
0xbc: {  	[sflag:s19] =	ssyncadd.s32 $0xFFFFFC00  }
0xbd: {  	_ =	swait.ge [sflag:s19], $0x400  }
0xbe: {  	[sflag:s19] =	ssyncset.done $0x0  }
0xbf: {  	[sflag:s19] =	ssyncadd.s32 $0xFFFFFC00  }
0xc0: {  	_ =	swait.ge [sflag:s19], $0x400  }
0xc1: {  	[sflag:s19] =	ssyncset.done $0x0  }
0xc2: {  	[sflag:s19] =	ssyncadd.s32 $0xFFFFFC00  }
0xc3: {  	_ =	swait.ge [sflag:s19], $0x400  }
0xc4: {  	[sflag:s19] =	ssyncset.done $0x0  }
0xc5: {  	[sflag:s19] =	ssyncadd.s32 $0xFFFFFC00  }
0xc6: {  	[bflag:$0x0] =	sbarrier.arrive $0xFFFF  }
0xc7: {  	[tilespmem:s20], [sflag:$0x1] =	stream.linear.gather [hbm4b:s8+s3], $0x4000, $0x38;
	[tilespmem:$0x12A00] =	vst v63  }
0xc8: {  	_ = 	snop  }
0xc9: {  	[tilespmem:s21], [sflag:$0x1] =	stream.linear.gather [hbm4b:s11+s3], $0x4000, $0x38;
	[tilespmem:$0x12A00] =	vst v63  }
0xca: {  	_ = 	snop  }
0xcb: {  	[tilespmem:s22], [sflag:$0x1] =	stream.linear.gather [hbm4b:s12+s3], $0x4000, $0x38;
	[tilespmem:$0x12A00] =	vst v63  }
0xcc: {  	_ = 	snop  }
0xcd: {  	[tilespmem:s23], [sflag:$0x1] =	stream.linear.gather [hbm4b:s13+s3], $0x4000, $0x38;
	[tilespmem:$0x12A00] =	vst v63  }
0xce: {  	v2 =	vld [tilespmem:$0x0];
	_ =	sdelay $0x7  }
0xcf: {  	[tilespmem:v2+s24+$0x0] =	vst.idx.add.f32.msk $0xffff, v1  }
0xd0: {  	v2 =	vld [tilespmem:$0x10];
	_ =	sdelay $0x7  }
0xd1: {  	[tilespmem:v2+s24+$0x0] =	vst.idx.add.f32.msk $0xffff, v1  }
0xd2: {  	v2 =	vld [tilespmem:$0x20];
	_ =	sdelay $0x7  }
0xd3: {  	[tilespmem:v2+s24+$0x0] =	vst.idx.add.f32.msk $0xffff, v1  }
0xd4: {  	v2 =	vld [tilespmem:$0x30];
	_ =	sdelay $0x7  }
0xd5: {  	[tilespmem:v2+s24+$0x0] =	vst.idx.add.f32.msk $0xffff, v1  }
0xd6: {  	v2 =	vld [tilespmem:$0x40];
	_ =	sdelay $0x7  }
0xd7: {  	[tilespmem:v2+s24+$0x0] =	vst.idx.add.f32.msk $0xffff, v1  }
0xd8: {  	v2 =	vld [tilespmem:$0x50];
	_ =	sdelay $0x7  }
0xd9: {  	[tilespmem:v2+s24+$0x0] =	vst.idx.add.f32.msk $0xffff, v1  }
0xda: {  	v2 =	vld [tilespmem:$0x60];
	_ =	sdelay $0x7  }
0xdb: {  	[tilespmem:v2+s24+$0x0] =	vst.idx.add.f32.msk $0xffff, v1  }
0xdc: {  	v2 =	vld [tilespmem:$0x70];
	_ =	sdelay $0x7  }
0xdd: {  	[tilespmem:v2+s24+$0x0] =	vst.idx.add.f32.msk $0xffff, v1  }
0xde: {  	v2 =	vld [tilespmem:$0x80];
	_ =	sdelay $0x7  }
0xdf: {  	[tilespmem:v2+s24+$0x0] =	vst.idx.add.f32.msk $0xffff, v1  }
0xe0: {  	v2 =	vld [tilespmem:$0x90];
	_ =	sdelay $0x7  }
0xe1: {  	[tilespmem:v2+s24+$0x0] =	vst.idx.add.f32.msk $0xffff, v1  }
0xe2: {  	v2 =	vld [tilespmem:$0xA0];
	_ =	sdelay $0x7  }
0xe3: {  	[tilespmem:v2+s24+$0x0] =	vst.idx.add.f32.msk $0xffff, v1  }
0xe4: {  	v2 =	vld [tilespmem:$0xB0];
	_ =	sdelay $0x7  }
0xe5: {  	[tilespmem:v2+s24+$0x0] =	vst.idx.add.f32.msk $0xffff, v1  }
0xe6: {  	v2 =	vld [tilespmem:$0xC0];
	_ =	sdelay $0x7  }
0xe7: {  	[tilespmem:v2+s24+$0x0] =	vst.idx.add.f32.msk $0xffff, v1  }
0xe8: {  	v2 =	vld [tilespmem:$0xD0];
	_ =	sdelay $0x7  }
0xe9: {  	[tilespmem:v2+s24+$0x0] =	vst.idx.add.f32.msk $0xffff, v1  }
0xea: {  	v2 =	vld [tilespmem:$0xE0];
	_ =	sdelay $0x7  }
0xeb: {  	[tilespmem:v2+s24+$0x0] =	vst.idx.add.f32.msk $0xffff, v1  }
0xec: {  	v2 =	vld [tilespmem:$0xF0];
	_ =	sdelay $0x7  }
0xed: {  	[tilespmem:v2+s24+$0x0] =	vst.idx.add.f32.msk $0xffff, v1  }
0xee: {  	v2 =	vld [tilespmem:$0x100];
	_ =	sdelay $0x7  }
0xef: {  	[tilespmem:v2+s24+$0x0] =	vst.idx.add.f32.msk $0xffff, v1  }
0xf0: {  	v2 =	vld [tilespmem:$0x110];
	_ =	sdelay $0x7  }
0xf1: {  	[tilespmem:v2+s24+$0x0] =	vst.idx.add.f32.msk $0xffff, v1  }
0xf2: {  	v2 =	vld [tilespmem:$0x120];
	_ =	sdelay $0x7  }
0xf3: {  	[tilespmem:v2+s24+$0x0] =	vst.idx.add.f32.msk $0xffff, v1  }
0xf4: {  	v2 =	vld [tilespmem:$0x130];
	_ =	sdelay $0x7  }
0xf5: {  	[tilespmem:v2+s24+$0x0] =	vst.idx.add.f32.msk $0xffff, v1  }
0xf6: {  	v2 =	vld [tilespmem:$0x140];
	_ =	sdelay $0x7  }
0xf7: {  	[tilespmem:v2+s24+$0x0] =	vst.idx.add.f32.msk $0xffff, v1  }
0xf8: {  	v2 =	vld [tilespmem:$0x150];
	_ =	sdelay $0x7  }
0xf9: {  	[tilespmem:v2+s24+$0x0] =	vst.idx.add.f32.msk $0xffff, v1  }
0xfa: {  	v2 =	vld [tilespmem:$0x160];
	_ =	sdelay $0x7  }
0xfb: {  	[tilespmem:v2+s24+$0x0] =	vst.idx.add.f32.msk $0xffff, v1  }
0xfc: {  	v2 =	vld [tilespmem:$0x170];
	_ =	sdelay $0x7  }
0xfd: {  	[tilespmem:v2+s24+$0x0] =	vst.idx.add.f32.msk $0xffff, v1  }
0xfe: {  	v2 =	vld [tilespmem:$0x180];
	_ =	sdelay $0x7  }
0xff: {  	[tilespmem:v2+s24+$0x0] =	vst.idx.add.f32.msk $0xffff, v1  }
0x100: {  	v2 =	vld [tilespmem:$0x190];
	_ =	sdelay $0x7  }
0x101: {  	[tilespmem:v2+s24+$0x0] =	vst.idx.add.f32.msk $0xffff, v1  }
0x102: {  	v2 =	vld [tilespmem:$0x1A0];
	_ =	sdelay $0x7  }
0x103: {  	[tilespmem:v2+s24+$0x0] =	vst.idx.add.f32.msk $0xffff, v1  }
0x104: {  	v2 =	vld [tilespmem:$0x1B0];
	_ =	sdelay $0x7  }
0x105: {  	[tilespmem:v2+s24+$0x0] =	vst.idx.add.f32.msk $0xffff, v1  }
0x106: {  	v2 =	vld [tilespmem:$0x1C0];
	_ =	sdelay $0x7  }
0x107: {  	[tilespmem:v2+s24+$0x0] =	vst.idx.add.f32.msk $0xffff, v1  }
0x108: {  	v2 =	vld [tilespmem:$0x1D0];
	_ =	sdelay $0x7  }
0x109: {  	[tilespmem:v2+s24+$0x0] =	vst.idx.add.f32.msk $0xffff, v1  }
0x10a: {  	v2 =	vld [tilespmem:$0x1E0];
	_ =	sdelay $0x7  }
0x10b: {  	[tilespmem:v2+s24+$0x0] =	vst.idx.add.f32.msk $0xffff, v1  }
0x10c: {  	v2 =	vld [tilespmem:$0x1F0];
	_ =	sdelay $0x7  }
0x10d: {  	[tilespmem:v2+s24+$0x0] =	vst.idx.add.f32.msk $0xffff, v1  }
0x10e: {  	_ =	swait.ge [sflag:s19], $0x4000  }
0x10f: {  	[sflag:s19] =	ssyncset.done $0x0  }
0x110: {  	[sflag:s19] =	ssyncadd.s32 $0xFFFFC000  }
0x111: {  	[spmem:s2] =	stream.indirect.scatter.add.f32 [tilespmem:s20], [sflag:$0x2], $0x80, s3, s25, $0xb8;
	[tilespmem:$0x12A00] =	vst v63  }
0x112: {  	_ =	swait.ge [sflag:s19], $0x4000  }
0x113: {  	[sflag:s19] =	ssyncset.done $0x0  }
0x114: {  	[sflag:s19] =	ssyncadd.s32 $0xFFFFC000  }
0x115: {  	[spmem:s2] =	stream.indirect.scatter.add.f32 [tilespmem:s21], [sflag:$0x2], $0x80, s25, s25, $0xb8;
	[tilespmem:$0x12A00] =	vst v63  }
0x116: {  	_ =	swait.ge [sflag:s19], $0x4000  }
0x117: {  	[sflag:s19] =	ssyncset.done $0x0  }
0x118: {  	[sflag:s19] =	ssyncadd.s32 $0xFFFFC000  }
0x119: {  	[spmem:s2] =	stream.indirect.scatter.add.f32 [tilespmem:s22], [sflag:$0x2], $0x80, s26, s25, $0xb8;
	[tilespmem:$0x12A00] =	vst v63  }
0x11a: {  	_ =	swait.ge [sflag:s19], $0x4000  }
0x11b: {  	[sflag:s19] =	ssyncset.done $0x0  }
0x11c: {  	[sflag:s19] =	ssyncadd.s32 $0xFFFFC000  }
0x11d: {  	[spmem:s2] =	stream.indirect.scatter.add.f32 [tilespmem:s23], [sflag:$0x2], $0x80, s28, s25, $0xb8;
	[tilespmem:$0x12A00] =	vst v63  }
0x11e: {  	_ = 	snop  }
0x11f: {  	[hbm4b:s14+s25] =	stream.strided.scatter [tilespmem:s24], [sflag:$0x1], $0x400, s29, s25, $0x38;
	[tilespmem:$0x12A00] =	vst v63  }
0x120: {  	_ =	swait.ge [sflag:s30], $0x4000  }
0x121: {  	[sflag:s30] =	ssyncset.done $0x0  }
0x122: {  	[sflag:s30] =	ssyncadd.s32 $0xFFFFC000  }
0x123: {  	_ =	swait.ge [sflag:s30], $0x4000  }
0x124: {  	[sflag:s30] =	ssyncset.done $0x0  }
0x125: {  	[sflag:s30] =	ssyncadd.s32 $0xFFFFC000  }
0x126: {  	_ =	swait.ge [sflag:s30], $0x4000  }
0x127: {  	[sflag:s30] =	ssyncset.done $0x0  }
0x128: {  	[sflag:s30] =	ssyncadd.s32 $0xFFFFC000  }
0x129: {  	_ =	swait.ge [sflag:s30], $0x4000  }
0x12a: {  	[sflag:s30] =	ssyncset.done $0x0  }
0x12b: {  	[sflag:s30] =	ssyncadd.s32 $0xFFFFC000  }
0x12c: {  	s31 =	sshrl.u32 s4, $0x3;
	s0 =	sor.u32 $0x1C03, s7;
	[bflag:$0x0] =	sbarrier.arrive $0xFFFF  }
0x12d: {  	[hbm:s15], [sflag:s0] =	dma.local [spmem:s31], $0x400  }
0x12e: {  	p0 =	sne.s32 s16, $0x1;
	_ =	swait.ge [sflag:s18], $0x400  }
.Ltmp0:
0x12f: {  	[sflag:s18] =	ssyncset.done $0x0;
	(pc) =	sbr.rel @p0 .LBB2_1-.Ltmp0, $4  }
0x130: {  	[sflag:s18] =	ssyncadd.s32 $0xFFFFFC00  }
0x131: {  	_ =	swait.ge [sflag:s19], $0x400  }
0x132: {  	[sflag:s19] =	ssyncset.done $0x0  }
0x133: {  	s16 =	sadd.s32 $0xFFFFFFFF, s16;
	[sflag:s19] =	ssyncadd.s32 $0xFFFFFC00  }
0x134: {  	_ =	sfence.sel $0x180000  }
0x135: {  	[bflag:$0x0] =	sbarrier.arrive $0xFFFF  }
0x136: {  	_ =	strace $0x90000047  }
0x137: {  	[bflag:$0x2] =	sbarrier.arrive $0xFFFF  }
0x138: {  	p0 =	sne.s32 s1, $0x0;
	s0 =	rddreg [dreg:$0x5]  }
0x139: {  	s0 =	sadd.s32 @!p0 $0x100000, s0  }
0x13a: {  	[sflag:s0] =	ssyncadd.tile.s32 @!p0 $0x1;
	_ =	shalt  }
.Lfunc_end2:
_tile_overlayer_lowered:
.L_overlay_start_2:
0x13b: {  	(tag) =	ssettag $0x2  }
0x13c: {  	s0 =	rddreg [dreg:$0x0];
	s2 =	stileid.u32  }
0x13d: {  	s1 =	rddreg [dreg:$0x1];
	p0 =	sne.s32 s2, $0x0  }
0x13e: {  	s3 =	rddreg [dreg:$0x2];
	[bflag:$0x3] =	sbarrier.arrive $0xFFFF;
	s2 =	simm.s32 @!p0 $0x1C03  }
0x13f: {  	[timem:s3], [sflag:s2] =	dma.local @!p0 [hbm:s0], s1  }
0x140: {  	s0 =	simm.s32 @!p0 $0x3  }
0x141: {  	_ =	swait.ge @!p0 [sflag:s0], s1  }
0x142: {  	s1 =	ssub.s32 @!p0 $0x0, s1;
	[sflag:s0] =	ssyncset.done @!p0 $0x0  }
0x143: {  	[sflag:s0] =	ssyncadd.s32 @!p0 s1  }
0x144: {  	[bflag:$0x3] =	sbarrier.arrive $0xFFFF  }
0x145: {  	_ =	shalt  }

</sc_bundles>
